<compile_context>
chip_gen: v7x
topology: tpu7x:2x2x1
jax: 0.10.2.dev20260603
libtpu: 0.0.44.dev20260713+nightly
codegen_flags: <defaults>
</compile_context>

<pallas_src>
import jax
import jax.numpy as jnp
from jax import lax
from jax.experimental import pallas as pl
from jax.experimental.pallas import tpu as pltpu
from jax.experimental.pallas import tpu_sc as plsc

_STRIDE_SHIFT = 3
_BATCH = 2
_NX, _NH, _NZ = 200, 4, 176
_ROWS_PER_BATCH = _NX * _NZ * _NH
_TOTAL_ROWS = _BATCH * _ROWS_PER_BATCH
_C = 128

_NCORES = 2
_NTILES = 16
_L = 16
_R = 12800
_NSHARDS = _TOTAL_ROWS // _R
_ACC_ROWS = _R + _L
_FROWS = _R // _NTILES

_NPAD = 100352
_PTS_PER_TILE = _NPAD // _NTILES
_VREGS_PER_TILE = _PTS_PER_TILE // _L
_BIDX = 64
_LIST_CAP = 6400

_CHUNKS = ((0, 22),)


def _make_body(q0, q1, first):
    local_passes = (q1 - q0) // _NCORES

    def body(coords_t, feats, out, r_hbm, acc, r_v, loc_flat, pid_flat,
             pid_row0, loc_row0, pid_row1, loc_row1, rows_v, sem, sem2):
        core = lax.axis_index("c")
        tile = lax.axis_index("s")
        pbase = tile * _PTS_PER_TILE
        lane = lax.iota(jnp.int32, _L)

        if first:
            stage = pid_flat

            def _accum_component(row, fn, is_first):
                pltpu.sync_copy(coords_t.at[row, pl.ds(pbase, _PTS_PER_TILE)],
                                stage.at[pl.ds(0, _PTS_PER_TILE)])

                def step(i, _):
                    off = i * _L
                    v = fn(stage[pl.ds(off, _L)])
                    r_v[pl.ds(off, _L)] = (
                        v if is_first else r_v[pl.ds(off, _L)] + v)
                    return 0
                lax.fori_loop(0, _VREGS_PER_TILE, step, 0)

            _accum_component(
                3, lambda cb: cb * _ROWS_PER_BATCH, True)
            _accum_component(
                0, lambda cx: lax.shift_right_logical(cx, _STRIDE_SHIFT)
                * (_NZ * _NH), False)
            _accum_component(
                2, lambda cz: lax.shift_right_logical(cz, _STRIDE_SHIFT) * _NH,
                False)
            _accum_component(
                1, lambda ch: jnp.clip(
                    lax.shift_right_logical(ch, _STRIDE_SHIFT), 0, _NH - 1),
                False)
            if r_hbm is not None:
                pltpu.sync_copy(r_v, r_hbm.at[pl.ds(pbase, _PTS_PER_TILE)])
        else:
            pltpu.sync_copy(coords_t.at[pl.ds(pbase, _PTS_PER_TILE)], r_v)

        def _shard_base(p2):
            return (q0 + p2 * _NCORES + core) * _R

        def _compact(base):
            def step(i, ptr):
                off = i * _L
                r = r_v[pl.ds(off, _L)]
                loc = r - base
                mask = (loc >= 0) & (loc < _R)
                mi = mask.astype(jnp.int32)
                cum = plsc.cumsum(mi)
                pos = ptr + cum - 1
                pid = pbase + off + lane
                plsc.store_scatter(loc_flat, [pos], loc, mask=mask)
                plsc.store_scatter(pid_flat, [pos], pid, mask=mask)
                return ptr + cum[15]
            m = lax.fori_loop(0, _VREGS_PER_TILE, step, jnp.int32(0))
            for k in range(_BIDX // _L + 1):
                loc_flat[pl.ds(m + k * _L, _L)] = _R + lane
                pid_flat[pl.ds(m + k * _L, _L)] = lane
            return m

        m0 = _compact(_shard_base(0))

        def one_pass(p2, m_cur):
            base = _shard_base(p2)

            zero16 = jnp.zeros((_L,), jnp.float32)

            def zrow(i, _):
                for c in range(_C // _L):
                    rows_v[i, pl.ds(c * _L, _L)] = zero16
                return 0
            lax.fori_loop(0, _BIDX, zrow, 0)

            zbase = tile * _FROWS
            zdescs = []
            for k in range(_FROWS // _BIDX):
                zdescs.append(pltpu.async_copy(
                    rows_v, acc.at[pl.ds(zbase + k * _BIDX, _BIDX)], sem))
            rem = _FROWS % _BIDX
            if rem:
                zdescs.append(pltpu.async_copy(
                    rows_v.at[pl.ds(0, rem)],
                    acc.at[pl.ds(zbase + _FROWS - rem, rem)], sem))
            for d in zdescs:
                d.wait()

            plsc.subcore_barrier()

            npair = (m_cur + _BIDX - 1) // _BIDX
            half = _BIDX // 2

            def one_pair(jj, _):
                fb0 = jj * _BIDX
                fb1 = fb0 + half
                for b in range(half // _L):
                    pid_row0[pl.ds(b * _L, _L)] = (
                        pid_flat[pl.ds(fb0 + b * _L, _L)])
                    loc_row0[pl.ds(b * _L, _L)] = (
                        loc_flat[pl.ds(fb0 + b * _L, _L)])
                g0 = pltpu.async_copy(
                    feats.at[pid_row0], rows_v.at[pl.ds(0, half)], sem)
                for b in range(half // _L):
                    pid_row1[pl.ds(b * _L, _L)] = (
                        pid_flat[pl.ds(fb1 + b * _L, _L)])
                    loc_row1[pl.ds(b * _L, _L)] = (
                        loc_flat[pl.ds(fb1 + b * _L, _L)])
                g1 = pltpu.async_copy(
                    feats.at[pid_row1], rows_v.at[pl.ds(half, half)], sem2)
                g0.wait()
                pltpu.sync_copy(rows_v.at[pl.ds(0, half)],
                                acc.at[loc_row0], add=True)
                g1.wait()
                pltpu.sync_copy(rows_v.at[pl.ds(half, half)],
                                acc.at[loc_row1], add=True)
                return 0
            lax.fori_loop(0, npair, one_pair, 0)

            plsc.subcore_barrier()

            fbase = tile * _FROWS
            fdesc = pltpu.async_copy(
                acc.at[pl.ds(fbase, _FROWS)],
                out.at[pl.ds(base - q0 * _R + fbase, _FROWS)], sem)
            m_next = _compact(_shard_base(p2 + 1))
            fdesc.wait()
            return m_next

        lax.fori_loop(0, local_passes, one_pass, m0)

    return body


def _make_call(q0, q1, first):
    nrows = (q1 - q0) * _R
    mesh = plsc.VectorSubcoreMesh(core_axis_name="c", subcore_axis_name="s")
    multi = len(_CHUNKS) > 1
    out_types = [jax.ShapeDtypeStruct((nrows, _C), jnp.float32)]
    if first and multi:
        out_types.append(jax.ShapeDtypeStruct((_NPAD,), jnp.int32))

    body = _make_body(q0, q1, first)
    if first and multi:
        def wrapped(coords_t, feats, out, r_out, *scratch):
            body(coords_t, feats, out, r_out, *scratch)
    elif first:
        def wrapped(coords_t, feats, out, *scratch):
            body(coords_t, feats, out, None, *scratch)
    else:
        def wrapped(r_hbm, feats, out, *scratch):
            body(r_hbm, feats, out, None, *scratch)

    return pl.kernel(
        wrapped,
        out_type=out_types if (first and multi) else out_types[0],
        mesh=mesh,
        compiler_params=pltpu.CompilerParams(needs_layout_passes=False),
        scratch_types=[
            pltpu.VMEM_SHARED((_ACC_ROWS, _C), jnp.float32),
            pltpu.VMEM((_PTS_PER_TILE,), jnp.int32),
            pltpu.VMEM((_LIST_CAP,), jnp.int32),
            pltpu.VMEM((_LIST_CAP,), jnp.int32),
            pltpu.VMEM((_BIDX // 2,), jnp.int32),
            pltpu.VMEM((_BIDX // 2,), jnp.int32),
            pltpu.VMEM((_BIDX // 2,), jnp.int32),
            pltpu.VMEM((_BIDX // 2,), jnp.int32),
            pltpu.VMEM((_BIDX, _C), jnp.float32),
            pltpu.SemaphoreType.DMA,
            pltpu.SemaphoreType.DMA,
        ],
    )


def _tc_transpose_chunk(prev, table, q0, q1):
    ns = q1 - q0
    spb = _NSHARDS // _BATCH
    table2 = table.reshape(ns * (_R // _NH), _NH * _C)

    in_specs = [pl.BlockSpec((_R // _NH, _NH * _C), lambda s: (s, 0))]
    args = [table2]
    aliases = {}
    if prev is not None:
        in_specs = [pl.BlockSpec(memory_space=pl.ANY)] + in_specs
        args = [prev] + args
        aliases = {0: 0}

    def body(*refs):
        i_ref, o_ref = refs[-2], refs[-1]
        o_ref[0] = i_ref[...].T

    return pl.pallas_call(
        body,
        grid=(ns,),
        in_specs=in_specs,
        out_specs=pl.BlockSpec(
            (1, _NH * _C, _R // _NH),
            lambda s: ((q0 + s) // spb, 0, (q0 + s) % spb)),
        out_shape=jax.ShapeDtypeStruct(
            (_BATCH, _NH * _C, _NX * _NZ), jnp.float32),
        input_output_aliases=aliases,
    )(*args)


def kernel(coords, feats):
    n = coords.shape[0]
    pad = jnp.zeros((_NPAD - n, 4), jnp.int32).at[:, 3].set(_BATCH)
    coords_t = jnp.concatenate([coords.astype(jnp.int32), pad], axis=0).T

    tables = []
    r_hbm = None
    for ci, (q0, q1) in enumerate(_CHUNKS):
        call = _make_call(q0, q1, ci == 0)
        if ci == 0 and len(_CHUNKS) > 1:
            table, r_hbm = call(coords_t, feats)
        elif ci == 0:
            table = call(coords_t, feats)
        else:
            table = call(r_hbm, feats)
        tables.append(table)

    if len(_CHUNKS) == 1:
        out = tables[0].reshape(_BATCH, _NX, _NZ, _NH * _C)
        return jnp.transpose(out, (0, 3, 1, 2))
    out = None
    for (q0, q1), table in zip(_CHUNKS, tables):
        out = _tc_transpose_chunk(out, table, q0, q1)
    return out.reshape(_BATCH, _NH * _C, _NX, _NZ)

# --- scband reference (transcript-rebuilt; emitter-appended) ---
"""Pipeline reference for scband-to-bevheight-compression-42279658062070 (READ-ONLY COPY).

The authoritative reference and input builder live on the scoring server;
editing this copy changes nothing except your own understanding.
"""

import jax, jax.numpy as jnp
import numpy as np

CHANNELS = 128
SHAPE = (200, 4, 176)      # module's self.shape (x, height, y)
OFFSET = (0, 0, 0)
DIM = 1                    # height dim (KITTI coords)
STRIDE = (8, 8, 8)         # SparseTensor stride
BEV_DIMS = [0, 2]
N_PTS = 100000
BATCH = 2


def setup_inputs(seed: int = 0) -> dict:
    key = jax.random.key(seed)
    k1, k2, k3, k4, k5 = jax.random.split(key, 5)
    # coords layout per torchsparse: (x, y_height, z, batch_idx)
    cx = jax.random.randint(k1, (N_PTS,), 0, SHAPE[0] * STRIDE[0])
    ch = jax.random.randint(k2, (N_PTS,), 0, SHAPE[1] * STRIDE[1])
    cz = jax.random.randint(k3, (N_PTS,), 0, SHAPE[2] * STRIDE[2])
    cb = jax.random.randint(k4, (N_PTS,), 0, BATCH)
    coords = jnp.stack([cx, ch, cz, cb], axis=1).astype(jnp.int32)
    feats = jax.random.normal(k5, (N_PTS, CHANNELS), dtype=jnp.float32)
    return {"coords": coords, "feats": feats}


def reference(coords, feats):
    # faithful translation of ToBEVHeightCompression.forward
    offset = jnp.array([list(OFFSET) + [0]], dtype=jnp.int32)  # [1, 4]
    c = (coords - offset).T                                    # [4, N]
    perm = jnp.array([3] + BEV_DIMS + [DIM])                   # [batch, x, z, height]
    c = c[perm]
    shape_full = np.array(SHAPE, dtype=np.int64)
    shape = shape_full[BEV_DIMS + [DIM]]                       # (200, 176, 4)
    st = np.array(STRIDE, dtype=np.int64)[BEV_DIMS + [DIM]]    # (8, 8, 8)
    # trunc-div (coords are non-negative, so // matches torch trunc)
    spatial = c[1:] // jnp.array(st, dtype=c.dtype)[:, None]
    spatial = spatial.at[-1].set(jnp.clip(spatial[-1], 0, int(shape[-1]) - 1))
    indices = (c[0] * int(shape.prod())
               + spatial[0] * int(shape[1:].prod())
               + spatial[1] * int(shape[2])
               + spatial[2])
    batch_size = BATCH
    total_rows = batch_size * int(shape_full.prod())
    # sparse_coo_tensor(...).to_dense() == scatter-add of duplicate indices
    out = jnp.zeros((total_rows, feats.shape[-1]), dtype=feats.dtype).at[indices].add(feats)
    bev_shape = shape_full[BEV_DIMS]
    out = out.reshape(batch_size, int(bev_shape[0]), int(bev_shape[1]), -1)
    out = jnp.transpose(out, (0, 3, 1, 2))
    return out

if __name__ == "__main__":
    import jax
    _d = setup_inputs()
    print(jax.jit(kernel)(*tuple(_d.values())))

</pallas_src>

<mosaic_0001>
#map = affine_map<(d0, d1) -> (0, 0)>
module attributes {stable_mosaic.version = 14 : i64} {
  func.func @wrapped(%arg0: i32, %arg1: i32, %arg2: memref<4x100352xi32, #tpu.memory_space<hbm>>, %arg3: memref<100000x128xf32, #tpu.memory_space<hbm>>, %arg4: memref<281600x128xf32, #tpu.memory_space<hbm>>, %arg5: memref<12816x128xf32, #tpu.memory_space<vmem_shared>>, %arg6: memref<6272xi32, #tpu.memory_space<vmem>>, %arg7: memref<6400xi32, #tpu.memory_space<vmem>>, %arg8: memref<6400xi32, #tpu.memory_space<vmem>>, %arg9: memref<32xi32, #tpu.memory_space<vmem>>, %arg10: memref<32xi32, #tpu.memory_space<vmem>>, %arg11: memref<32xi32, #tpu.memory_space<vmem>>, %arg12: memref<32xi32, #tpu.memory_space<vmem>>, %arg13: memref<64x128xf32, #tpu.memory_space<vmem>>, %arg14: memref<!tpu.dma_semaphore, #tpu.memory_space<semaphore_mem>>, %arg15: memref<!tpu.dma_semaphore, #tpu.memory_space<semaphore_mem>>) attributes {dimension_semantics = [#tpu.dimension_semantics<core_parallel>, #tpu.dimension_semantics<subcore_parallel>], iteration_bounds = array<i64: 2, 16>, scalar_prefetch = 0 : i64, scratch_operands = 11 : i64, tpu.core_type = #tpu.core_type<sc_vector_subcore>, window_params = [{transform_indices = #map}, {transform_indices = #map}, {transform_indices = #map}]} {
    %mul3A = arith.constant 6272 : i32
    %mul3A_0 = arith.muli %arg1, %mul3A : i32
    %iota3A = tpu.iota {dimensions = array<i32: 0>} : vector<16xi32>
    %run_scoped3A = arith.constant 3 : i32
    "tpu.region"() ({
      %run_scoped3A_101 = tpu.sem_alloc : memref<!tpu.dma_semaphore, #tpu.memory_space<semaphore_mem>>
      %dma_start3A = arith.constant 0 : i32
      %dma_start3A_102 = tpu.memref_slice %arg8[%dma_start3A] : memref<6400xi32, #tpu.memory_space<vmem>> -> memref<6272xi32, #tpu.memory_space<vmem>>
      %dma_start3A_103 = tpu.memref_slice %arg2[%run_scoped3A, %mul3A_0] : memref<4x100352xi32, #tpu.memory_space<hbm>> -> memref<1x6272xi32, #tpu.memory_space<hbm>>
      %dma_start3A_104 = tpu.memref_squeeze %dma_start3A_103 : memref<1x6272xi32, #tpu.memory_space<hbm>> -> memref<6272xi32, #tpu.memory_space<hbm>>
      %dma_start3A_105 = arith.constant 0 : i32
      %dma_start3A_106 = tpu.memref_slice %arg8[%dma_start3A_105] : memref<6400xi32, #tpu.memory_space<vmem>> -> memref<6272xi32, #tpu.memory_space<vmem>>
      %dma_start3A_107 = tpu.memref_slice %arg2[%run_scoped3A, %mul3A_0] : memref<4x100352xi32, #tpu.memory_space<hbm>> -> memref<1x6272xi32, #tpu.memory_space<hbm>>
      %dma_start3A_108 = tpu.memref_squeeze %dma_start3A_107 : memref<1x6272xi32, #tpu.memory_space<hbm>> -> memref<6272xi32, #tpu.memory_space<hbm>>
      tpu.enqueue_dma source(%dma_start3A_108 : memref<6272xi32, #tpu.memory_space<hbm>>) target(%dma_start3A_106 : memref<6272xi32, #tpu.memory_space<vmem>>) target_semaphore(%run_scoped3A_101 : memref<!tpu.dma_semaphore, #tpu.memory_space<semaphore_mem>>)
      %dma_wait3A = arith.constant 0 : i32
      %dma_wait3A_109 = tpu.memref_slice %arg8[%dma_wait3A] : memref<6400xi32, #tpu.memory_space<vmem>> -> memref<6272xi32, #tpu.memory_space<vmem>>
      %dma_wait3A_110 = tpu.memref_slice %arg2[%run_scoped3A, %mul3A_0] : memref<4x100352xi32, #tpu.memory_space<hbm>> -> memref<1x6272xi32, #tpu.memory_space<hbm>>
      %dma_wait3A_111 = tpu.memref_squeeze %dma_wait3A_110 : memref<1x6272xi32, #tpu.memory_space<hbm>> -> memref<6272xi32, #tpu.memory_space<hbm>>
      %dma_wait3A_112 = arith.constant 0 : i32
      %dma_wait3A_113 = tpu.memref_slice %arg8[%dma_wait3A_112] : memref<6400xi32, #tpu.memory_space<vmem>> -> memref<6272xi32, #tpu.memory_space<vmem>>
      %dma_wait3A_114 = tpu.memref_slice %arg2[%run_scoped3A, %mul3A_0] : memref<4x100352xi32, #tpu.memory_space<hbm>> -> memref<1x6272xi32, #tpu.memory_space<hbm>>
      %dma_wait3A_115 = tpu.memref_squeeze %dma_wait3A_114 : memref<1x6272xi32, #tpu.memory_space<hbm>> -> memref<6272xi32, #tpu.memory_space<hbm>>
      tpu.wait_dma2 semaphore(%run_scoped3A_101 : memref<!tpu.dma_semaphore, #tpu.memory_space<semaphore_mem>>) src(%dma_wait3A_115 : memref<6272xi32, #tpu.memory_space<hbm>>) dst(%dma_wait3A_113 : memref<6272xi32, #tpu.memory_space<vmem>>)
      tpu.yield
    }) : () -> ()
    %scan3A = arith.constant 0 : i32
    %scan3A_1 = arith.constant 0 : i32
    %scan3A_2 = arith.constant 392 : i32
    %scan3A_3 = arith.addi %scan3A_1, %scan3A_2 : i32
    %scan3A_4 = arith.constant 1 : i32
    %scan3A_5 = scf.for %scan3A_101 = %scan3A_1 to %scan3A_3 step %scan3A_4 iter_args(%scan3A_102 = %scan3A) -> (i32)  : i32 {
      %mul3A_103 = arith.constant 16 : i32
      %mul3A_104 = arith.muli %scan3A_101, %mul3A_103 : i32
      %get3A = arith.index_cast %mul3A_104 : i32 to index
      %get3A_105 = tpu.vector_load %arg8[%get3A] {strides = array<i32>} : memref<6400xi32, #tpu.memory_space<vmem>>, vector<16xi32>,
      %mul3A_106 = arith.constant 140800 : i32
      %mul3A_107 = vector.broadcast %mul3A_106 : i32 to vector<16xi32>
      %mul3A_108 = arith.muli %get3A_105, %mul3A_107 : vector<16xi32>
      %swap3A_109 = arith.index_cast %mul3A_104 : i32 to index
      %swap3A_110 = tpu.vector_load %arg6[%swap3A_109] {strides = array<i32>} : memref<6272xi32, #tpu.memory_space<vmem>>, vector<16xi32>,
      tpu.vector_store %arg6[%swap3A_109], %mul3A_108 {strides = array<i32>} : memref<6272xi32, #tpu.memory_space<vmem>>, vector<16xi32>,
      %scan3A_111 = arith.constant 0 : i32
      scf.yield %scan3A_111 : i32
    }
    %scan3A_6 = arith.constant 392 : i32
    %run_scoped3A_7 = arith.constant 0 : i32
    "tpu.region"() ({
      %run_scoped3A_101 = tpu.sem_alloc : memref<!tpu.dma_semaphore, #tpu.memory_space<semaphore_mem>>
      %dma_start3A = arith.constant 0 : i32
      %dma_start3A_102 = tpu.memref_slice %arg8[%dma_start3A] : memref<6400xi32, #tpu.memory_space<vmem>> -> memref<6272xi32, #tpu.memory_space<vmem>>
      %dma_start3A_103 = tpu.memref_slice %arg2[%run_scoped3A_7, %mul3A_0] : memref<4x100352xi32, #tpu.memory_space<hbm>> -> memref<1x6272xi32, #tpu.memory_space<hbm>>
      %dma_start3A_104 = tpu.memref_squeeze %dma_start3A_103 : memref<1x6272xi32, #tpu.memory_space<hbm>> -> memref<6272xi32, #tpu.memory_space<hbm>>
      %dma_start3A_105 = arith.constant 0 : i32
      %dma_start3A_106 = tpu.memref_slice %arg8[%dma_start3A_105] : memref<6400xi32, #tpu.memory_space<vmem>> -> memref<6272xi32, #tpu.memory_space<vmem>>
      %dma_start3A_107 = tpu.memref_slice %arg2[%run_scoped3A_7, %mul3A_0] : memref<4x100352xi32, #tpu.memory_space<hbm>> -> memref<1x6272xi32, #tpu.memory_space<hbm>>
      %dma_start3A_108 = tpu.memref_squeeze %dma_start3A_107 : memref<1x6272xi32, #tpu.memory_space<hbm>> -> memref<6272xi32, #tpu.memory_space<hbm>>
      tpu.enqueue_dma source(%dma_start3A_108 : memref<6272xi32, #tpu.memory_space<hbm>>) target(%dma_start3A_106 : memref<6272xi32, #tpu.memory_space<vmem>>) target_semaphore(%run_scoped3A_101 : memref<!tpu.dma_semaphore, #tpu.memory_space<semaphore_mem>>)
      %dma_wait3A = arith.constant 0 : i32
      %dma_wait3A_109 = tpu.memref_slice %arg8[%dma_wait3A] : memref<6400xi32, #tpu.memory_space<vmem>> -> memref<6272xi32, #tpu.memory_space<vmem>>
      %dma_wait3A_110 = tpu.memref_slice %arg2[%run_scoped3A_7, %mul3A_0] : memref<4x100352xi32, #tpu.memory_space<hbm>> -> memref<1x6272xi32, #tpu.memory_space<hbm>>
      %dma_wait3A_111 = tpu.memref_squeeze %dma_wait3A_110 : memref<1x6272xi32, #tpu.memory_space<hbm>> -> memref<6272xi32, #tpu.memory_space<hbm>>
      %dma_wait3A_112 = arith.constant 0 : i32
      %dma_wait3A_113 = tpu.memref_slice %arg8[%dma_wait3A_112] : memref<6400xi32, #tpu.memory_space<vmem>> -> memref<6272xi32, #tpu.memory_space<vmem>>
      %dma_wait3A_114 = tpu.memref_slice %arg2[%run_scoped3A_7, %mul3A_0] : memref<4x100352xi32, #tpu.memory_space<hbm>> -> memref<1x6272xi32, #tpu.memory_space<hbm>>
      %dma_wait3A_115 = tpu.memref_squeeze %dma_wait3A_114 : memref<1x6272xi32, #tpu.memory_space<hbm>> -> memref<6272xi32, #tpu.memory_space<hbm>>
      tpu.wait_dma2 semaphore(%run_scoped3A_101 : memref<!tpu.dma_semaphore, #tpu.memory_space<semaphore_mem>>) src(%dma_wait3A_115 : memref<6272xi32, #tpu.memory_space<hbm>>) dst(%dma_wait3A_113 : memref<6272xi32, #tpu.memory_space<vmem>>)
      tpu.yield
    }) : () -> ()
    %scan3A_8 = arith.constant 0 : i32
    %scan3A_9 = arith.constant 0 : i32
    %scan3A_10 = arith.constant 392 : i32
    %scan3A_11 = arith.addi %scan3A_9, %scan3A_10 : i32
    %scan3A_12 = arith.constant 1 : i32
    %scan3A_13 = scf.for %scan3A_101 = %scan3A_9 to %scan3A_11 step %scan3A_12 iter_args(%scan3A_102 = %scan3A_8) -> (i32)  : i32 {
      %mul3A_103 = arith.constant 16 : i32
      %mul3A_104 = arith.muli %scan3A_101, %mul3A_103 : i32
      %get3A = arith.index_cast %mul3A_104 : i32 to index
      %get3A_105 = tpu.vector_load %arg8[%get3A] {strides = array<i32>} : memref<6400xi32, #tpu.memory_space<vmem>>, vector<16xi32>,
      %shift_right_logical3A = arith.constant 3 : i32
      %shift_right_logical3A_106 = vector.broadcast %shift_right_logical3A : i32 to vector<16xi32>
      %shift_right_logical3A_107 = arith.shrui %get3A_105, %shift_right_logical3A_106 : vector<16xi32>
      %mul3A_108 = arith.constant 704 : i32
      %mul3A_109 = vector.broadcast %mul3A_108 : i32 to vector<16xi32>
      %mul3A_110 = arith.muli %shift_right_logical3A_107, %mul3A_109 : vector<16xi32>
      %get3A_111 = arith.index_cast %mul3A_104 : i32 to index
      %get3A_112 = tpu.vector_load %arg6[%get3A_111] {strides = array<i32>} : memref<6272xi32, #tpu.memory_space<vmem>>, vector<16xi32>,
      %add3A_113 = arith.addi %get3A_112, %mul3A_110 : vector<16xi32>
      %swap3A_114 = arith.index_cast %mul3A_104 : i32 to index
      %swap3A_115 = tpu.vector_load %arg6[%swap3A_114] {strides = array<i32>} : memref<6272xi32, #tpu.memory_space<vmem>>, vector<16xi32>,
      tpu.vector_store %arg6[%swap3A_114], %add3A_113 {strides = array<i32>} : memref<6272xi32, #tpu.memory_space<vmem>>, vector<16xi32>,
      %scan3A_116 = arith.constant 0 : i32
      scf.yield %scan3A_116 : i32
    }
    %scan3A_14 = arith.constant 392 : i32
    %run_scoped3A_15 = arith.constant 2 : i32
    "tpu.region"() ({
      %run_scoped3A_101 = tpu.sem_alloc : memref<!tpu.dma_semaphore, #tpu.memory_space<semaphore_mem>>
      %dma_start3A = arith.constant 0 : i32
      %dma_start3A_102 = tpu.memref_slice %arg8[%dma_start3A] : memref<6400xi32, #tpu.memory_space<vmem>> -> memref<6272xi32, #tpu.memory_space<vmem>>
      %dma_start3A_103 = tpu.memref_slice %arg2[%run_scoped3A_15, %mul3A_0] : memref<4x100352xi32, #tpu.memory_space<hbm>> -> memref<1x6272xi32, #tpu.memory_space<hbm>>
      %dma_start3A_104 = tpu.memref_squeeze %dma_start3A_103 : memref<1x6272xi32, #tpu.memory_space<hbm>> -> memref<6272xi32, #tpu.memory_space<hbm>>
      %dma_start3A_105 = arith.constant 0 : i32
      %dma_start3A_106 = tpu.memref_slice %arg8[%dma_start3A_105] : memref<6400xi32, #tpu.memory_space<vmem>> -> memref<6272xi32, #tpu.memory_space<vmem>>
      %dma_start3A_107 = tpu.memref_slice %arg2[%run_scoped3A_15, %mul3A_0] : memref<4x100352xi32, #tpu.memory_space<hbm>> -> memref<1x6272xi32, #tpu.memory_space<hbm>>
      %dma_start3A_108 = tpu.memref_squeeze %dma_start3A_107 : memref<1x6272xi32, #tpu.memory_space<hbm>> -> memref<6272xi32, #tpu.memory_space<hbm>>
      tpu.enqueue_dma source(%dma_start3A_108 : memref<6272xi32, #tpu.memory_space<hbm>>) target(%dma_start3A_106 : memref<6272xi32, #tpu.memory_space<vmem>>) target_semaphore(%run_scoped3A_101 : memref<!tpu.dma_semaphore, #tpu.memory_space<semaphore_mem>>)
      %dma_wait3A = arith.constant 0 : i32
      %dma_wait3A_109 = tpu.memref_slice %arg8[%dma_wait3A] : memref<6400xi32, #tpu.memory_space<vmem>> -> memref<6272xi32, #tpu.memory_space<vmem>>
      %dma_wait3A_110 = tpu.memref_slice %arg2[%run_scoped3A_15, %mul3A_0] : memref<4x100352xi32, #tpu.memory_space<hbm>> -> memref<1x6272xi32, #tpu.memory_space<hbm>>
      %dma_wait3A_111 = tpu.memref_squeeze %dma_wait3A_110 : memref<1x6272xi32, #tpu.memory_space<hbm>> -> memref<6272xi32, #tpu.memory_space<hbm>>
      %dma_wait3A_112 = arith.constant 0 : i32
      %dma_wait3A_113 = tpu.memref_slice %arg8[%dma_wait3A_112] : memref<6400xi32, #tpu.memory_space<vmem>> -> memref<6272xi32, #tpu.memory_space<vmem>>
      %dma_wait3A_114 = tpu.memref_slice %arg2[%run_scoped3A_15, %mul3A_0] : memref<4x100352xi32, #tpu.memory_space<hbm>> -> memref<1x6272xi32, #tpu.memory_space<hbm>>
      %dma_wait3A_115 = tpu.memref_squeeze %dma_wait3A_114 : memref<1x6272xi32, #tpu.memory_space<hbm>> -> memref<6272xi32, #tpu.memory_space<hbm>>
      tpu.wait_dma2 semaphore(%run_scoped3A_101 : memref<!tpu.dma_semaphore, #tpu.memory_space<semaphore_mem>>) src(%dma_wait3A_115 : memref<6272xi32, #tpu.memory_space<hbm>>) dst(%dma_wait3A_113 : memref<6272xi32, #tpu.memory_space<vmem>>)
      tpu.yield
    }) : () -> ()
    %scan3A_16 = arith.constant 0 : i32
    %scan3A_17 = arith.constant 0 : i32
    %scan3A_18 = arith.constant 392 : i32
    %scan3A_19 = arith.addi %scan3A_17, %scan3A_18 : i32
    %scan3A_20 = arith.constant 1 : i32
    %scan3A_21 = scf.for %scan3A_101 = %scan3A_17 to %scan3A_19 step %scan3A_20 iter_args(%scan3A_102 = %scan3A_16) -> (i32)  : i32 {
      %mul3A_103 = arith.constant 16 : i32
      %mul3A_104 = arith.muli %scan3A_101, %mul3A_103 : i32
      %get3A = arith.index_cast %mul3A_104 : i32 to index
      %get3A_105 = tpu.vector_load %arg8[%get3A] {strides = array<i32>} : memref<6400xi32, #tpu.memory_space<vmem>>, vector<16xi32>,
      %shift_right_logical3A = arith.constant 3 : i32
      %shift_right_logical3A_106 = vector.broadcast %shift_right_logical3A : i32 to vector<16xi32>
      %shift_right_logical3A_107 = arith.shrui %get3A_105, %shift_right_logical3A_106 : vector<16xi32>
      %mul3A_108 = arith.constant 4 : i32
      %mul3A_109 = vector.broadcast %mul3A_108 : i32 to vector<16xi32>
      %mul3A_110 = arith.muli %shift_right_logical3A_107, %mul3A_109 : vector<16xi32>
      %get3A_111 = arith.index_cast %mul3A_104 : i32 to index
      %get3A_112 = tpu.vector_load %arg6[%get3A_111] {strides = array<i32>} : memref<6272xi32, #tpu.memory_space<vmem>>, vector<16xi32>,
      %add3A_113 = arith.addi %get3A_112, %mul3A_110 : vector<16xi32>
      %swap3A_114 = arith.index_cast %mul3A_104 : i32 to index
      %swap3A_115 = tpu.vector_load %arg6[%swap3A_114] {strides = array<i32>} : memref<6272xi32, #tpu.memory_space<vmem>>, vector<16xi32>,
      tpu.vector_store %arg6[%swap3A_114], %add3A_113 {strides = array<i32>} : memref<6272xi32, #tpu.memory_space<vmem>>, vector<16xi32>,
      %scan3A_116 = arith.constant 0 : i32
      scf.yield %scan3A_116 : i32
    }
    %scan3A_22 = arith.constant 392 : i32
    %run_scoped3A_23 = arith.constant 1 : i32
    "tpu.region"() ({
      %run_scoped3A_101 = tpu.sem_alloc : memref<!tpu.dma_semaphore, #tpu.memory_space<semaphore_mem>>
      %dma_start3A = arith.constant 0 : i32
      %dma_start3A_102 = tpu.memref_slice %arg8[%dma_start3A] : memref<6400xi32, #tpu.memory_space<vmem>> -> memref<6272xi32, #tpu.memory_space<vmem>>
      %dma_start3A_103 = tpu.memref_slice %arg2[%run_scoped3A_23, %mul3A_0] : memref<4x100352xi32, #tpu.memory_space<hbm>> -> memref<1x6272xi32, #tpu.memory_space<hbm>>
      %dma_start3A_104 = tpu.memref_squeeze %dma_start3A_103 : memref<1x6272xi32, #tpu.memory_space<hbm>> -> memref<6272xi32, #tpu.memory_space<hbm>>
      %dma_start3A_105 = arith.constant 0 : i32
      %dma_start3A_106 = tpu.memref_slice %arg8[%dma_start3A_105] : memref<6400xi32, #tpu.memory_space<vmem>> -> memref<6272xi32, #tpu.memory_space<vmem>>
      %dma_start3A_107 = tpu.memref_slice %arg2[%run_scoped3A_23, %mul3A_0] : memref<4x100352xi32, #tpu.memory_space<hbm>> -> memref<1x6272xi32, #tpu.memory_space<hbm>>
      %dma_start3A_108 = tpu.memref_squeeze %dma_start3A_107 : memref<1x6272xi32, #tpu.memory_space<hbm>> -> memref<6272xi32, #tpu.memory_space<hbm>>
      tpu.enqueue_dma source(%dma_start3A_108 : memref<6272xi32, #tpu.memory_space<hbm>>) target(%dma_start3A_106 : memref<6272xi32, #tpu.memory_space<vmem>>) target_semaphore(%run_scoped3A_101 : memref<!tpu.dma_semaphore, #tpu.memory_space<semaphore_mem>>)
      %dma_wait3A = arith.constant 0 : i32
      %dma_wait3A_109 = tpu.memref_slice %arg8[%dma_wait3A] : memref<6400xi32, #tpu.memory_space<vmem>> -> memref<6272xi32, #tpu.memory_space<vmem>>
      %dma_wait3A_110 = tpu.memref_slice %arg2[%run_scoped3A_23, %mul3A_0] : memref<4x100352xi32, #tpu.memory_space<hbm>> -> memref<1x6272xi32, #tpu.memory_space<hbm>>
      %dma_wait3A_111 = tpu.memref_squeeze %dma_wait3A_110 : memref<1x6272xi32, #tpu.memory_space<hbm>> -> memref<6272xi32, #tpu.memory_space<hbm>>
      %dma_wait3A_112 = arith.constant 0 : i32
      %dma_wait3A_113 = tpu.memref_slice %arg8[%dma_wait3A_112] : memref<6400xi32, #tpu.memory_space<vmem>> -> memref<6272xi32, #tpu.memory_space<vmem>>
      %dma_wait3A_114 = tpu.memref_slice %arg2[%run_scoped3A_23, %mul3A_0] : memref<4x100352xi32, #tpu.memory_space<hbm>> -> memref<1x6272xi32, #tpu.memory_space<hbm>>
      %dma_wait3A_115 = tpu.memref_squeeze %dma_wait3A_114 : memref<1x6272xi32, #tpu.memory_space<hbm>> -> memref<6272xi32, #tpu.memory_space<hbm>>
      tpu.wait_dma2 semaphore(%run_scoped3A_101 : memref<!tpu.dma_semaphore, #tpu.memory_space<semaphore_mem>>) src(%dma_wait3A_115 : memref<6272xi32, #tpu.memory_space<hbm>>) dst(%dma_wait3A_113 : memref<6272xi32, #tpu.memory_space<vmem>>)
      tpu.yield
    }) : () -> ()
    %scan3A_24 = arith.constant 0 : i32
    %scan3A_25 = arith.constant 0 : i32
    %scan3A_26 = arith.constant 392 : i32
    %scan3A_27 = arith.addi %scan3A_25, %scan3A_26 : i32
    %scan3A_28 = arith.constant 1 : i32
    %scan3A_29 = scf.for %scan3A_101 = %scan3A_25 to %scan3A_27 step %scan3A_28 iter_args(%scan3A_102 = %scan3A_24) -> (i32)  : i32 {
      %mul3A_103 = arith.constant 16 : i32
      %mul3A_104 = arith.muli %scan3A_101, %mul3A_103 : i32
      %get3A = arith.index_cast %mul3A_104 : i32 to index
      %get3A_105 = tpu.vector_load %arg8[%get3A] {strides = array<i32>} : memref<6400xi32, #tpu.memory_space<vmem>>, vector<16xi32>,
      %shift_right_logical3A = arith.constant 3 : i32
      %shift_right_logical3A_106 = vector.broadcast %shift_right_logical3A : i32 to vector<16xi32>
      %shift_right_logical3A_107 = arith.shrui %get3A_105, %shift_right_logical3A_106 : vector<16xi32>
      %jit3A = arith.constant 0 : i32
      %jit3A_108 = arith.constant 3 : i32
      %max3A = vector.broadcast %jit3A : i32 to vector<16xi32>
      %max3A_109 = arith.maxsi %max3A, %shift_right_logical3A_107 : vector<16xi32>
      %min3A = vector.broadcast %jit3A_108 : i32 to vector<16xi32>
      %min3A_110 = arith.minsi %min3A, %max3A_109 : vector<16xi32>
      %get3A_111 = arith.index_cast %mul3A_104 : i32 to index
      %get3A_112 = tpu.vector_load %arg6[%get3A_111] {strides = array<i32>} : memref<6272xi32, #tpu.memory_space<vmem>>, vector<16xi32>,
      %add3A_113 = arith.addi %get3A_112, %min3A_110 : vector<16xi32>
      %swap3A_114 = arith.index_cast %mul3A_104 : i32 to index
      %swap3A_115 = tpu.vector_load %arg6[%swap3A_114] {strides = array<i32>} : memref<6272xi32, #tpu.memory_space<vmem>>, vector<16xi32>,
      tpu.vector_store %arg6[%swap3A_114], %add3A_113 {strides = array<i32>} : memref<6272xi32, #tpu.memory_space<vmem>>, vector<16xi32>,
      %scan3A_116 = arith.constant 0 : i32
      scf.yield %scan3A_116 : i32
    }
    %scan3A_30 = arith.constant 392 : i32
    %add3A = arith.constant 0 : i32
    %add3A_31 = arith.addi %add3A, %arg0 : i32
    %mul3A_32 = arith.constant 12800 : i32
    %mul3A_33 = arith.muli %add3A_31, %mul3A_32 : i32
    %scan3A_34 = arith.constant 0 : i32
    %scan3A_35 = arith.constant 0 : i32
    %scan3A_36 = arith.constant 392 : i32
    %scan3A_37 = arith.addi %scan3A_35, %scan3A_36 : i32
    %scan3A_38 = arith.constant 1 : i32
    %scan3A_39 = scf.for %scan3A_101 = %scan3A_35 to %scan3A_37 step %scan3A_38 iter_args(%scan3A_102 = %scan3A_34) -> (i32)  : i32 {
      %mul3A_103 = arith.constant 16 : i32
      %mul3A_104 = arith.muli %scan3A_101, %mul3A_103 : i32
      %get3A = arith.index_cast %mul3A_104 : i32 to index
      %get3A_105 = tpu.vector_load %arg6[%get3A] {strides = array<i32>} : memref<6272xi32, #tpu.memory_space<vmem>>, vector<16xi32>,
      %sub3A = vector.broadcast %mul3A_33 : i32 to vector<16xi32>
      %sub3A_106 = arith.subi %get3A_105, %sub3A : vector<16xi32>
      %ge3A = arith.constant 0 : i32
      %ge3A_107 = vector.broadcast %ge3A : i32 to vector<16xi32>
      %ge3A_108 = arith.cmpi sge, %sub3A_106, %ge3A_107 : vector<16xi32>
      %lt3A = arith.constant 12800 : i32
      %lt3A_109 = vector.broadcast %lt3A : i32 to vector<16xi32>
      %lt3A_110 = arith.cmpi slt, %sub3A_106, %lt3A_109 : vector<16xi32>
      %and3A = arith.andi %ge3A_108, %lt3A_110 : vector<16xi1>
      %convert_element_type3A = arith.extui %and3A : vector<16xi1> to vector<16xi32>
      %broadcast_in_dim3A = arith.constant true
      %broadcast_in_dim3A_111 = vector.broadcast %broadcast_in_dim3A : i1 to vector<16xi1>
      %masked_cumsum3A = tpu.scan <sum>, %convert_element_type3A masked %broadcast_in_dim3A_111 : vector<16xi32>, vector<16xi1> -> vector<16xi32>
      %add3A_112 = vector.broadcast %scan3A_102 : i32 to vector<16xi32>
      %add3A_113 = arith.addi %add3A_112, %masked_cumsum3A : vector<16xi32>
      %sub3A_114 = arith.constant 1 : i32
      %sub3A_115 = vector.broadcast %sub3A_114 : i32 to vector<16xi32>
      %sub3A_116 = arith.subi %add3A_113, %sub3A_115 : vector<16xi32>
      %add3A_117 = arith.addi %mul3A_0, %mul3A_104 : i32
      %add3A_118 = vector.broadcast %add3A_117 : i32 to vector<16xi32>
      %add3A_119 = arith.addi %add3A_118, %iota3A : vector<16xi32>
      tpu.vector_store_idx %arg7[%sub3A_116], %sub3A_106 masked %and3A : memref<6400xi32, #tpu.memory_space<vmem>>[vector<16xi32>], vector<16xi32>, vector<16xi1>
      tpu.vector_store_idx %arg8[%sub3A_116], %add3A_119 masked %and3A : memref<6400xi32, #tpu.memory_space<vmem>>[vector<16xi32>], vector<16xi32>, vector<16xi1>
      %slice3A = vector.extract_strided_slice %masked_cumsum3A {offsets = [15], sizes = [1], strides = [1]} : vector<16xi32> to vector<1xi32>
      %squeeze3A = vector.extract %slice3A[0] : i32 from vector<1xi32>
      %add3A_120 = arith.addi %scan3A_102, %squeeze3A : i32
      scf.yield %add3A_120 : i32
    }
    %scan3A_40 = arith.constant 392 : i32
    %add3A_41 = arith.constant 12800 : i32
    %add3A_42 = vector.broadcast %add3A_41 : i32 to vector<16xi32>
    %add3A_43 = arith.addi %add3A_42, %iota3A : vector<16xi32>
    %add3A_44 = arith.constant 0 : i32
    %add3A_45 = arith.addi %scan3A_39, %add3A_44 : i32
    %swap3A = arith.index_cast %add3A_45 : i32 to index
    %swap3A_46 = tpu.vector_load %arg7[%swap3A] {strides = array<i32>} : memref<6400xi32, #tpu.memory_space<vmem>>, vector<16xi32>,
    tpu.vector_store %arg7[%swap3A], %add3A_43 {strides = array<i32>} : memref<6400xi32, #tpu.memory_space<vmem>>, vector<16xi32>,
    %add3A_47 = arith.constant 0 : i32
    %add3A_48 = arith.addi %scan3A_39, %add3A_47 : i32
    %swap3A_49 = arith.index_cast %add3A_48 : i32 to index
    %swap3A_50 = tpu.vector_load %arg8[%swap3A_49] {strides = array<i32>} : memref<6400xi32, #tpu.memory_space<vmem>>, vector<16xi32>,
    tpu.vector_store %arg8[%swap3A_49], %iota3A {strides = array<i32>} : memref<6400xi32, #tpu.memory_space<vmem>>, vector<16xi32>,
    %add3A_51 = arith.constant 12800 : i32
    %add3A_52 = vector.broadcast %add3A_51 : i32 to vector<16xi32>
    %add3A_53 = arith.addi %add3A_52, %iota3A : vector<16xi32>
    %add3A_54 = arith.constant 16 : i32
    %add3A_55 = arith.addi %scan3A_39, %add3A_54 : i32
    %swap3A_56 = arith.index_cast %add3A_55 : i32 to index
    %swap3A_57 = tpu.vector_load %arg7[%swap3A_56] {strides = array<i32>} : memref<6400xi32, #tpu.memory_space<vmem>>, vector<16xi32>,
    tpu.vector_store %arg7[%swap3A_56], %add3A_53 {strides = array<i32>} : memref<6400xi32, #tpu.memory_space<vmem>>, vector<16xi32>,
    %add3A_58 = arith.constant 16 : i32
    %add3A_59 = arith.addi %scan3A_39, %add3A_58 : i32
    %swap3A_60 = arith.index_cast %add3A_59 : i32 to index
    %swap3A_61 = tpu.vector_load %arg8[%swap3A_60] {strides = array<i32>} : memref<6400xi32, #tpu.memory_space<vmem>>, vector<16xi32>,
    tpu.vector_store %arg8[%swap3A_60], %iota3A {strides = array<i32>} : memref<6400xi32, #tpu.memory_space<vmem>>, vector<16xi32>,
    %add3A_62 = arith.constant 12800 : i32
    %add3A_63 = vector.broadcast %add3A_62 : i32 to vector<16xi32>
    %add3A_64 = arith.addi %add3A_63, %iota3A : vector<16xi32>
    %add3A_65 = arith.constant 32 : i32
    %add3A_66 = arith.addi %scan3A_39, %add3A_65 : i32
    %swap3A_67 = arith.index_cast %add3A_66 : i32 to index
    %swap3A_68 = tpu.vector_load %arg7[%swap3A_67] {strides = array<i32>} : memref<6400xi32, #tpu.memory_space<vmem>>, vector<16xi32>,
    tpu.vector_store %arg7[%swap3A_67], %add3A_64 {strides = array<i32>} : memref<6400xi32, #tpu.memory_space<vmem>>, vector<16xi32>,
    %add3A_69 = arith.constant 32 : i32
    %add3A_70 = arith.addi %scan3A_39, %add3A_69 : i32
    %swap3A_71 = arith.index_cast %add3A_70 : i32 to index
    %swap3A_72 = tpu.vector_load %arg8[%swap3A_71] {strides = array<i32>} : memref<6400xi32, #tpu.memory_space<vmem>>, vector<16xi32>,
    tpu.vector_store %arg8[%swap3A_71], %iota3A {strides = array<i32>} : memref<6400xi32, #tpu.memory_space<vmem>>, vector<16xi32>,
    %add3A_73 = arith.constant 12800 : i32
    %add3A_74 = vector.broadcast %add3A_73 : i32 to vector<16xi32>
    %add3A_75 = arith.addi %add3A_74, %iota3A : vector<16xi32>
    %add3A_76 = arith.constant 48 : i32
    %add3A_77 = arith.addi %scan3A_39, %add3A_76 : i32
    %swap3A_78 = arith.index_cast %add3A_77 : i32 to index
    %swap3A_79 = tpu.vector_load %arg7[%swap3A_78] {strides = array<i32>} : memref<6400xi32, #tpu.memory_space<vmem>>, vector<16xi32>,
    tpu.vector_store %arg7[%swap3A_78], %add3A_75 {strides = array<i32>} : memref<6400xi32, #tpu.memory_space<vmem>>, vector<16xi32>,
    %add3A_80 = arith.constant 48 : i32
    %add3A_81 = arith.addi %scan3A_39, %add3A_80 : i32
    %swap3A_82 = arith.index_cast %add3A_81 : i32 to index
    %swap3A_83 = tpu.vector_load %arg8[%swap3A_82] {strides = array<i32>} : memref<6400xi32, #tpu.memory_space<vmem>>, vector<16xi32>,
    tpu.vector_store %arg8[%swap3A_82], %iota3A {strides = array<i32>} : memref<6400xi32, #tpu.memory_space<vmem>>, vector<16xi32>,
    %add3A_84 = arith.constant 12800 : i32
    %add3A_85 = vector.broadcast %add3A_84 : i32 to vector<16xi32>
    %add3A_86 = arith.addi %add3A_85, %iota3A : vector<16xi32>
    %add3A_87 = arith.constant 64 : i32
    %add3A_88 = arith.addi %scan3A_39, %add3A_87 : i32
    %swap3A_89 = arith.index_cast %add3A_88 : i32 to index
    %swap3A_90 = tpu.vector_load %arg7[%swap3A_89] {strides = array<i32>} : memref<6400xi32, #tpu.memory_space<vmem>>, vector<16xi32>,
    tpu.vector_store %arg7[%swap3A_89], %add3A_86 {strides = array<i32>} : memref<6400xi32, #tpu.memory_space<vmem>>, vector<16xi32>,
    %add3A_91 = arith.constant 64 : i32
    %add3A_92 = arith.addi %scan3A_39, %add3A_91 : i32
    %swap3A_93 = arith.index_cast %add3A_92 : i32 to index
    %swap3A_94 = tpu.vector_load %arg8[%swap3A_93] {strides = array<i32>} : memref<6400xi32, #tpu.memory_space<vmem>>, vector<16xi32>,
    tpu.vector_store %arg8[%swap3A_93], %iota3A {strides = array<i32>} : memref<6400xi32, #tpu.memory_space<vmem>>, vector<16xi32>,
    %scan3A_95 = arith.constant 0 : i32
    %scan3A_96 = arith.constant 11 : i32
    %scan3A_97 = arith.addi %scan3A_95, %scan3A_96 : i32
    %scan3A_98 = arith.constant 1 : i32
    %scan3A_99 = scf.for %scan3A_101 = %scan3A_95 to %scan3A_97 step %scan3A_98 iter_args(%scan3A_102 = %scan3A_39) -> (i32)  : i32 {
      %mul3A_103 = arith.constant 2 : i32
      %mul3A_104 = arith.muli %scan3A_101, %mul3A_103 : i32
      %add3A_105 = arith.constant 0 : i32
      %add3A_106 = arith.addi %add3A_105, %mul3A_104 : i32
      %add3A_107 = arith.addi %add3A_106, %arg0 : i32
      %mul3A_108 = arith.constant 12800 : i32
      %mul3A_109 = arith.muli %add3A_107, %mul3A_108 : i32
      %broadcast_in_dim3A = arith.constant 0.000000e+00 : f32
      %broadcast_in_dim3A_110 = vector.broadcast %broadcast_in_dim3A : f32 to vector<16xf32>
      %scan3A_111 = arith.constant 0 : i32
      %scan3A_112 = arith.constant 0 : i32
      %scan3A_113 = arith.constant 64 : i32
      %scan3A_114 = arith.addi %scan3A_112, %scan3A_113 : i32
      %scan3A_115 = arith.constant 1 : i32
      %scan3A_116 = scf.for %scan3A_378 = %scan3A_112 to %scan3A_114 step %scan3A_115 iter_args(%scan3A_379 = %scan3A_111) -> (i32)  : i32 {
        %swap3A_380 = arith.index_cast %scan3A_378 : i32 to index
        %swap3A_381 = arith.constant 0 : index
        %swap3A_382 = tpu.vector_load %arg13[%swap3A_380, %swap3A_381] {strides = array<i32>} : memref<64x128xf32, #tpu.memory_space<vmem>>, vector<16xf32>,
        tpu.vector_store %arg13[%swap3A_380, %swap3A_381], %broadcast_in_dim3A_110 {strides = array<i32>} : memref<64x128xf32, #tpu.memory_space<vmem>>, vector<16xf32>,
        %swap3A_383 = arith.index_cast %scan3A_378 : i32 to index
        %swap3A_384 = arith.constant 16 : index
        %swap3A_385 = tpu.vector_load %arg13[%swap3A_383, %swap3A_384] {strides = array<i32>} : memref<64x128xf32, #tpu.memory_space<vmem>>, vector<16xf32>,
        tpu.vector_store %arg13[%swap3A_383, %swap3A_384], %broadcast_in_dim3A_110 {strides = array<i32>} : memref<64x128xf32, #tpu.memory_space<vmem>>, vector<16xf32>,
        %swap3A_386 = arith.index_cast %scan3A_378 : i32 to index
        %swap3A_387 = arith.constant 32 : index
        %swap3A_388 = tpu.vector_load %arg13[%swap3A_386, %swap3A_387] {strides = array<i32>} : memref<64x128xf32, #tpu.memory_space<vmem>>, vector<16xf32>,
        tpu.vector_store %arg13[%swap3A_386, %swap3A_387], %broadcast_in_dim3A_110 {strides = array<i32>} : memref<64x128xf32, #tpu.memory_space<vmem>>, vector<16xf32>,
        %swap3A_389 = arith.index_cast %scan3A_378 : i32 to index
        %swap3A_390 = arith.constant 48 : index
        %swap3A_391 = tpu.vector_load %arg13[%swap3A_389, %swap3A_390] {strides = array<i32>} : memref<64x128xf32, #tpu.memory_space<vmem>>, vector<16xf32>,
        tpu.vector_store %arg13[%swap3A_389, %swap3A_390], %broadcast_in_dim3A_110 {strides = array<i32>} : memref<64x128xf32, #tpu.memory_space<vmem>>, vector<16xf32>,
        %swap3A_392 = arith.index_cast %scan3A_378 : i32 to index
        %swap3A_393 = arith.constant 64 : index
        %swap3A_394 = tpu.vector_load %arg13[%swap3A_392, %swap3A_393] {strides = array<i32>} : memref<64x128xf32, #tpu.memory_space<vmem>>, vector<16xf32>,
        tpu.vector_store %arg13[%swap3A_392, %swap3A_393], %broadcast_in_dim3A_110 {strides = array<i32>} : memref<64x128xf32, #tpu.memory_space<vmem>>, vector<16xf32>,
        %swap3A_395 = arith.index_cast %scan3A_378 : i32 to index
        %swap3A_396 = arith.constant 80 : index
        %swap3A_397 = tpu.vector_load %arg13[%swap3A_395, %swap3A_396] {strides = array<i32>} : memref<64x128xf32, #tpu.memory_space<vmem>>, vector<16xf32>,
        tpu.vector_store %arg13[%swap3A_395, %swap3A_396], %broadcast_in_dim3A_110 {strides = array<i32>} : memref<64x128xf32, #tpu.memory_space<vmem>>, vector<16xf32>,
        %swap3A_398 = arith.index_cast %scan3A_378 : i32 to index
        %swap3A_399 = arith.constant 96 : index
        %swap3A_400 = tpu.vector_load %arg13[%swap3A_398, %swap3A_399] {strides = array<i32>} : memref<64x128xf32, #tpu.memory_space<vmem>>, vector<16xf32>,
        tpu.vector_store %arg13[%swap3A_398, %swap3A_399], %broadcast_in_dim3A_110 {strides = array<i32>} : memref<64x128xf32, #tpu.memory_space<vmem>>, vector<16xf32>,
        %swap3A_401 = arith.index_cast %scan3A_378 : i32 to index
        %swap3A_402 = arith.constant 112 : index
        %swap3A_403 = tpu.vector_load %arg13[%swap3A_401, %swap3A_402] {strides = array<i32>} : memref<64x128xf32, #tpu.memory_space<vmem>>, vector<16xf32>,
        tpu.vector_store %arg13[%swap3A_401, %swap3A_402], %broadcast_in_dim3A_110 {strides = array<i32>} : memref<64x128xf32, #tpu.memory_space<vmem>>, vector<16xf32>,
        %scan3A_404 = arith.constant 0 : i32
        scf.yield %scan3A_404 : i32
      }
      %scan3A_117 = arith.constant 64 : i32
      %mul3A_118 = arith.constant 800 : i32
      %mul3A_119 = arith.muli %arg1, %mul3A_118 : i32
      %add3A_120 = arith.constant 0 : i32
      %add3A_121 = arith.addi %mul3A_119, %add3A_120 : i32
      %dma_start3A = arith.constant 0 : i32
      %dma_start3A_122 = tpu.memref_slice %arg5[%add3A_121, %dma_start3A] : memref<12816x128xf32, #tpu.memory_space<vmem_shared>> -> memref<64x128xf32, #tpu.memory_space<vmem_shared>>
      %dma_start3A_123 = arith.constant 0 : i32
      %dma_start3A_124 = tpu.memref_slice %arg5[%add3A_121, %dma_start3A_123] : memref<12816x128xf32, #tpu.memory_space<vmem_shared>> -> memref<64x128xf32, #tpu.memory_space<vmem_shared>>
      tpu.enqueue_dma source(%arg13 : memref<64x128xf32, #tpu.memory_space<vmem>>) target(%dma_start3A_124 : memref<64x128xf32, #tpu.memory_space<vmem_shared>>) target_semaphore(%arg14 : memref<!tpu.dma_semaphore, #tpu.memory_space<semaphore_mem>>)
      %add3A_125 = arith.constant 64 : i32
      %add3A_126 = arith.addi %mul3A_119, %add3A_125 : i32
      %dma_start3A_127 = arith.constant 0 : i32
      %dma_start3A_128 = tpu.memref_slice %arg5[%add3A_126, %dma_start3A_127] : memref<12816x128xf32, #tpu.memory_space<vmem_shared>> -> memref<64x128xf32, #tpu.memory_space<vmem_shared>>
      %dma_start3A_129 = arith.constant 0 : i32
      %dma_start3A_130 = tpu.memref_slice %arg5[%add3A_126, %dma_start3A_129] : memref<12816x128xf32, #tpu.memory_space<vmem_shared>> -> memref<64x128xf32, #tpu.memory_space<vmem_shared>>
      tpu.enqueue_dma source(%arg13 : memref<64x128xf32, #tpu.memory_space<vmem>>) target(%dma_start3A_130 : memref<64x128xf32, #tpu.memory_space<vmem_shared>>) target_semaphore(%arg14 : memref<!tpu.dma_semaphore, #tpu.memory_space<semaphore_mem>>)
      %add3A_131 = arith.constant 128 : i32
      %add3A_132 = arith.addi %mul3A_119, %add3A_131 : i32
      %dma_start3A_133 = arith.constant 0 : i32
      %dma_start3A_134 = tpu.memref_slice %arg5[%add3A_132, %dma_start3A_133] : memref<12816x128xf32, #tpu.memory_space<vmem_shared>> -> memref<64x128xf32, #tpu.memory_space<vmem_shared>>
      %dma_start3A_135 = arith.constant 0 : i32
      %dma_start3A_136 = tpu.memref_slice %arg5[%add3A_132, %dma_start3A_135] : memref<12816x128xf32, #tpu.memory_space<vmem_shared>> -> memref<64x128xf32, #tpu.memory_space<vmem_shared>>
      tpu.enqueue_dma source(%arg13 : memref<64x128xf32, #tpu.memory_space<vmem>>) target(%dma_start3A_136 : memref<64x128xf32, #tpu.memory_space<vmem_shared>>) target_semaphore(%arg14 : memref<!tpu.dma_semaphore, #tpu.memory_space<semaphore_mem>>)
      %add3A_137 = arith.constant 192 : i32
      %add3A_138 = arith.addi %mul3A_119, %add3A_137 : i32
      %dma_start3A_139 = arith.constant 0 : i32
      %dma_start3A_140 = tpu.memref_slice %arg5[%add3A_138, %dma_start3A_139] : memref<12816x128xf32, #tpu.memory_space<vmem_shared>> -> memref<64x128xf32, #tpu.memory_space<vmem_shared>>
      %dma_start3A_141 = arith.constant 0 : i32
      %dma_start3A_142 = tpu.memref_slice %arg5[%add3A_138, %dma_start3A_141] : memref<12816x128xf32, #tpu.memory_space<vmem_shared>> -> memref<64x128xf32, #tpu.memory_space<vmem_shared>>
      tpu.enqueue_dma source(%arg13 : memref<64x128xf32, #tpu.memory_space<vmem>>) target(%dma_start3A_142 : memref<64x128xf32, #tpu.memory_space<vmem_shared>>) target_semaphore(%arg14 : memref<!tpu.dma_semaphore, #tpu.memory_space<semaphore_mem>>)
      %add3A_143 = arith.constant 256 : i32
      %add3A_144 = arith.addi %mul3A_119, %add3A_143 : i32
      %dma_start3A_145 = arith.constant 0 : i32
      %dma_start3A_146 = tpu.memref_slice %arg5[%add3A_144, %dma_start3A_145] : memref<12816x128xf32, #tpu.memory_space<vmem_shared>> -> memref<64x128xf32, #tpu.memory_space<vmem_shared>>
      %dma_start3A_147 = arith.constant 0 : i32
      %dma_start3A_148 = tpu.memref_slice %arg5[%add3A_144, %dma_start3A_147] : memref<12816x128xf32, #tpu.memory_space<vmem_shared>> -> memref<64x128xf32, #tpu.memory_space<vmem_shared>>
      tpu.enqueue_dma source(%arg13 : memref<64x128xf32, #tpu.memory_space<vmem>>) target(%dma_start3A_148 : memref<64x128xf32, #tpu.memory_space<vmem_shared>>) target_semaphore(%arg14 : memref<!tpu.dma_semaphore, #tpu.memory_space<semaphore_mem>>)
      %add3A_149 = arith.constant 320 : i32
      %add3A_150 = arith.addi %mul3A_119, %add3A_149 : i32
      %dma_start3A_151 = arith.constant 0 : i32
      %dma_start3A_152 = tpu.memref_slice %arg5[%add3A_150, %dma_start3A_151] : memref<12816x128xf32, #tpu.memory_space<vmem_shared>> -> memref<64x128xf32, #tpu.memory_space<vmem_shared>>
      %dma_start3A_153 = arith.constant 0 : i32
      %dma_start3A_154 = tpu.memref_slice %arg5[%add3A_150, %dma_start3A_153] : memref<12816x128xf32, #tpu.memory_space<vmem_shared>> -> memref<64x128xf32, #tpu.memory_space<vmem_shared>>
      tpu.enqueue_dma source(%arg13 : memref<64x128xf32, #tpu.memory_space<vmem>>) target(%dma_start3A_154 : memref<64x128xf32, #tpu.memory_space<vmem_shared>>) target_semaphore(%arg14 : memref<!tpu.dma_semaphore, #tpu.memory_space<semaphore_mem>>)
      %add3A_155 = arith.constant 384 : i32
      %add3A_156 = arith.addi %mul3A_119, %add3A_155 : i32
      %dma_start3A_157 = arith.constant 0 : i32
      %dma_start3A_158 = tpu.memref_slice %arg5[%add3A_156, %dma_start3A_157] : memref<12816x128xf32, #tpu.memory_space<vmem_shared>> -> memref<64x128xf32, #tpu.memory_space<vmem_shared>>
      %dma_start3A_159 = arith.constant 0 : i32
      %dma_start3A_160 = tpu.memref_slice %arg5[%add3A_156, %dma_start3A_159] : memref<12816x128xf32, #tpu.memory_space<vmem_shared>> -> memref<64x128xf32, #tpu.memory_space<vmem_shared>>
      tpu.enqueue_dma source(%arg13 : memref<64x128xf32, #tpu.memory_space<vmem>>) target(%dma_start3A_160 : memref<64x128xf32, #tpu.memory_space<vmem_shared>>) target_semaphore(%arg14 : memref<!tpu.dma_semaphore, #tpu.memory_space<semaphore_mem>>)
      %add3A_161 = arith.constant 448 : i32
      %add3A_162 = arith.addi %mul3A_119, %add3A_161 : i32
      %dma_start3A_163 = arith.constant 0 : i32
      %dma_start3A_164 = tpu.memref_slice %arg5[%add3A_162, %dma_start3A_163] : memref<12816x128xf32, #tpu.memory_space<vmem_shared>> -> memref<64x128xf32, #tpu.memory_space<vmem_shared>>
      %dma_start3A_165 = arith.constant 0 : i32
      %dma_start3A_166 = tpu.memref_slice %arg5[%add3A_162, %dma_start3A_165] : memref<12816x128xf32, #tpu.memory_space<vmem_shared>> -> memref<64x128xf32, #tpu.memory_space<vmem_shared>>
      tpu.enqueue_dma source(%arg13 : memref<64x128xf32, #tpu.memory_space<vmem>>) target(%dma_start3A_166 : memref<64x128xf32, #tpu.memory_space<vmem_shared>>) target_semaphore(%arg14 : memref<!tpu.dma_semaphore, #tpu.memory_space<semaphore_mem>>)
      %add3A_167 = arith.constant 512 : i32
      %add3A_168 = arith.addi %mul3A_119, %add3A_167 : i32
      %dma_start3A_169 = arith.constant 0 : i32
      %dma_start3A_170 = tpu.memref_slice %arg5[%add3A_168, %dma_start3A_169] : memref<12816x128xf32, #tpu.memory_space<vmem_shared>> -> memref<64x128xf32, #tpu.memory_space<vmem_shared>>
      %dma_start3A_171 = arith.constant 0 : i32
      %dma_start3A_172 = tpu.memref_slice %arg5[%add3A_168, %dma_start3A_171] : memref<12816x128xf32, #tpu.memory_space<vmem_shared>> -> memref<64x128xf32, #tpu.memory_space<vmem_shared>>
      tpu.enqueue_dma source(%arg13 : memref<64x128xf32, #tpu.memory_space<vmem>>) target(%dma_start3A_172 : memref<64x128xf32, #tpu.memory_space<vmem_shared>>) target_semaphore(%arg14 : memref<!tpu.dma_semaphore, #tpu.memory_space<semaphore_mem>>)
      %add3A_173 = arith.constant 576 : i32
      %add3A_174 = arith.addi %mul3A_119, %add3A_173 : i32
      %dma_start3A_175 = arith.constant 0 : i32
      %dma_start3A_176 = tpu.memref_slice %arg5[%add3A_174, %dma_start3A_175] : memref<12816x128xf32, #tpu.memory_space<vmem_shared>> -> memref<64x128xf32, #tpu.memory_space<vmem_shared>>
      %dma_start3A_177 = arith.constant 0 : i32
      %dma_start3A_178 = tpu.memref_slice %arg5[%add3A_174, %dma_start3A_177] : memref<12816x128xf32, #tpu.memory_space<vmem_shared>> -> memref<64x128xf32, #tpu.memory_space<vmem_shared>>
      tpu.enqueue_dma source(%arg13 : memref<64x128xf32, #tpu.memory_space<vmem>>) target(%dma_start3A_178 : memref<64x128xf32, #tpu.memory_space<vmem_shared>>) target_semaphore(%arg14 : memref<!tpu.dma_semaphore, #tpu.memory_space<semaphore_mem>>)
      %add3A_179 = arith.constant 640 : i32
      %add3A_180 = arith.addi %mul3A_119, %add3A_179 : i32
      %dma_start3A_181 = arith.constant 0 : i32
      %dma_start3A_182 = tpu.memref_slice %arg5[%add3A_180, %dma_start3A_181] : memref<12816x128xf32, #tpu.memory_space<vmem_shared>> -> memref<64x128xf32, #tpu.memory_space<vmem_shared>>
      %dma_start3A_183 = arith.constant 0 : i32
      %dma_start3A_184 = tpu.memref_slice %arg5[%add3A_180, %dma_start3A_183] : memref<12816x128xf32, #tpu.memory_space<vmem_shared>> -> memref<64x128xf32, #tpu.memory_space<vmem_shared>>
      tpu.enqueue_dma source(%arg13 : memref<64x128xf32, #tpu.memory_space<vmem>>) target(%dma_start3A_184 : memref<64x128xf32, #tpu.memory_space<vmem_shared>>) target_semaphore(%arg14 : memref<!tpu.dma_semaphore, #tpu.memory_space<semaphore_mem>>)
      %add3A_185 = arith.constant 704 : i32
      %add3A_186 = arith.addi %mul3A_119, %add3A_185 : i32
      %dma_start3A_187 = arith.constant 0 : i32
      %dma_start3A_188 = tpu.memref_slice %arg5[%add3A_186, %dma_start3A_187] : memref<12816x128xf32, #tpu.memory_space<vmem_shared>> -> memref<64x128xf32, #tpu.memory_space<vmem_shared>>
      %dma_start3A_189 = arith.constant 0 : i32
      %dma_start3A_190 = tpu.memref_slice %arg5[%add3A_186, %dma_start3A_189] : memref<12816x128xf32, #tpu.memory_space<vmem_shared>> -> memref<64x128xf32, #tpu.memory_space<vmem_shared>>
      tpu.enqueue_dma source(%arg13 : memref<64x128xf32, #tpu.memory_space<vmem>>) target(%dma_start3A_190 : memref<64x128xf32, #tpu.memory_space<vmem_shared>>) target_semaphore(%arg14 : memref<!tpu.dma_semaphore, #tpu.memory_space<semaphore_mem>>)
      %add3A_191 = arith.constant 800 : i32
      %add3A_192 = arith.addi %mul3A_119, %add3A_191 : i32
      %sub3A = arith.constant 32 : i32
      %sub3A_193 = arith.subi %add3A_192, %sub3A : i32
      %dma_start3A_194 = arith.constant 0 : i32
      %dma_start3A_195 = arith.constant 0 : i32
      %dma_start3A_196 = tpu.memref_slice %arg13[%dma_start3A_194, %dma_start3A_195] : memref<64x128xf32, #tpu.memory_space<vmem>> -> memref<32x128xf32, #tpu.memory_space<vmem>>
      %dma_start3A_197 = arith.constant 0 : i32
      %dma_start3A_198 = tpu.memref_slice %arg5[%sub3A_193, %dma_start3A_197] : memref<12816x128xf32, #tpu.memory_space<vmem_shared>> -> memref<32x128xf32, #tpu.memory_space<vmem_shared>>
      %dma_start3A_199 = arith.constant 0 : i32
      %dma_start3A_200 = tpu.memref_slice %arg5[%sub3A_193, %dma_start3A_199] : memref<12816x128xf32, #tpu.memory_space<vmem_shared>> -> memref<32x128xf32, #tpu.memory_space<vmem_shared>>
      %dma_start3A_201 = arith.constant 0 : i32
      %dma_start3A_202 = arith.constant 0 : i32
      %dma_start3A_203 = tpu.memref_slice %arg13[%dma_start3A_201, %dma_start3A_202] : memref<64x128xf32, #tpu.memory_space<vmem>> -> memref<32x128xf32, #tpu.memory_space<vmem>>
      tpu.enqueue_dma source(%dma_start3A_203 : memref<32x128xf32, #tpu.memory_space<vmem>>) target(%dma_start3A_200 : memref<32x128xf32, #tpu.memory_space<vmem_shared>>) target_semaphore(%arg14 : memref<!tpu.dma_semaphore, #tpu.memory_space<semaphore_mem>>)
      %dma_wait3A = arith.constant 0 : i32
      %dma_wait3A_204 = tpu.memref_slice %arg5[%add3A_121, %dma_wait3A] : memref<12816x128xf32, #tpu.memory_space<vmem_shared>> -> memref<64x128xf32, #tpu.memory_space<vmem_shared>>
      %dma_wait3A_205 = arith.constant 0 : i32
      %dma_wait3A_206 = tpu.memref_slice %arg5[%add3A_121, %dma_wait3A_205] : memref<12816x128xf32, #tpu.memory_space<vmem_shared>> -> memref<64x128xf32, #tpu.memory_space<vmem_shared>>
      tpu.wait_dma2 semaphore(%arg14 : memref<!tpu.dma_semaphore, #tpu.memory_space<semaphore_mem>>) src(%arg13 : memref<64x128xf32, #tpu.memory_space<vmem>>) dst(%dma_wait3A_206 : memref<64x128xf32, #tpu.memory_space<vmem_shared>>)
      %dma_wait3A_207 = arith.constant 0 : i32
      %dma_wait3A_208 = tpu.memref_slice %arg5[%add3A_126, %dma_wait3A_207] : memref<12816x128xf32, #tpu.memory_space<vmem_shared>> -> memref<64x128xf32, #tpu.memory_space<vmem_shared>>
      %dma_wait3A_209 = arith.constant 0 : i32
      %dma_wait3A_210 = tpu.memref_slice %arg5[%add3A_126, %dma_wait3A_209] : memref<12816x128xf32, #tpu.memory_space<vmem_shared>> -> memref<64x128xf32, #tpu.memory_space<vmem_shared>>
      tpu.wait_dma2 semaphore(%arg14 : memref<!tpu.dma_semaphore, #tpu.memory_space<semaphore_mem>>) src(%arg13 : memref<64x128xf32, #tpu.memory_space<vmem>>) dst(%dma_wait3A_210 : memref<64x128xf32, #tpu.memory_space<vmem_shared>>)
      %dma_wait3A_211 = arith.constant 0 : i32
      %dma_wait3A_212 = tpu.memref_slice %arg5[%add3A_132, %dma_wait3A_211] : memref<12816x128xf32, #tpu.memory_space<vmem_shared>> -> memref<64x128xf32, #tpu.memory_space<vmem_shared>>
      %dma_wait3A_213 = arith.constant 0 : i32
      %dma_wait3A_214 = tpu.memref_slice %arg5[%add3A_132, %dma_wait3A_213] : memref<12816x128xf32, #tpu.memory_space<vmem_shared>> -> memref<64x128xf32, #tpu.memory_space<vmem_shared>>
      tpu.wait_dma2 semaphore(%arg14 : memref<!tpu.dma_semaphore, #tpu.memory_space<semaphore_mem>>) src(%arg13 : memref<64x128xf32, #tpu.memory_space<vmem>>) dst(%dma_wait3A_214 : memref<64x128xf32, #tpu.memory_space<vmem_shared>>)
      %dma_wait3A_215 = arith.constant 0 : i32
      %dma_wait3A_216 = tpu.memref_slice %arg5[%add3A_138, %dma_wait3A_215] : memref<12816x128xf32, #tpu.memory_space<vmem_shared>> -> memref<64x128xf32, #tpu.memory_space<vmem_shared>>
      %dma_wait3A_217 = arith.constant 0 : i32
      %dma_wait3A_218 = tpu.memref_slice %arg5[%add3A_138, %dma_wait3A_217] : memref<12816x128xf32, #tpu.memory_space<vmem_shared>> -> memref<64x128xf32, #tpu.memory_space<vmem_shared>>
      tpu.wait_dma2 semaphore(%arg14 : memref<!tpu.dma_semaphore, #tpu.memory_space<semaphore_mem>>) src(%arg13 : memref<64x128xf32, #tpu.memory_space<vmem>>) dst(%dma_wait3A_218 : memref<64x128xf32, #tpu.memory_space<vmem_shared>>)
      %dma_wait3A_219 = arith.constant 0 : i32
      %dma_wait3A_220 = tpu.memref_slice %arg5[%add3A_144, %dma_wait3A_219] : memref<12816x128xf32, #tpu.memory_space<vmem_shared>> -> memref<64x128xf32, #tpu.memory_space<vmem_shared>>
      %dma_wait3A_221 = arith.constant 0 : i32
      %dma_wait3A_222 = tpu.memref_slice %arg5[%add3A_144, %dma_wait3A_221] : memref<12816x128xf32, #tpu.memory_space<vmem_shared>> -> memref<64x128xf32, #tpu.memory_space<vmem_shared>>
      tpu.wait_dma2 semaphore(%arg14 : memref<!tpu.dma_semaphore, #tpu.memory_space<semaphore_mem>>) src(%arg13 : memref<64x128xf32, #tpu.memory_space<vmem>>) dst(%dma_wait3A_222 : memref<64x128xf32, #tpu.memory_space<vmem_shared>>)
      %dma_wait3A_223 = arith.constant 0 : i32
      %dma_wait3A_224 = tpu.memref_slice %arg5[%add3A_150, %dma_wait3A_223] : memref<12816x128xf32, #tpu.memory_space<vmem_shared>> -> memref<64x128xf32, #tpu.memory_space<vmem_shared>>
      %dma_wait3A_225 = arith.constant 0 : i32
      %dma_wait3A_226 = tpu.memref_slice %arg5[%add3A_150, %dma_wait3A_225] : memref<12816x128xf32, #tpu.memory_space<vmem_shared>> -> memref<64x128xf32, #tpu.memory_space<vmem_shared>>
      tpu.wait_dma2 semaphore(%arg14 : memref<!tpu.dma_semaphore, #tpu.memory_space<semaphore_mem>>) src(%arg13 : memref<64x128xf32, #tpu.memory_space<vmem>>) dst(%dma_wait3A_226 : memref<64x128xf32, #tpu.memory_space<vmem_shared>>)
      %dma_wait3A_227 = arith.constant 0 : i32
      %dma_wait3A_228 = tpu.memref_slice %arg5[%add3A_156, %dma_wait3A_227] : memref<12816x128xf32, #tpu.memory_space<vmem_shared>> -> memref<64x128xf32, #tpu.memory_space<vmem_shared>>
      %dma_wait3A_229 = arith.constant 0 : i32
      %dma_wait3A_230 = tpu.memref_slice %arg5[%add3A_156, %dma_wait3A_229] : memref<12816x128xf32, #tpu.memory_space<vmem_shared>> -> memref<64x128xf32, #tpu.memory_space<vmem_shared>>
      tpu.wait_dma2 semaphore(%arg14 : memref<!tpu.dma_semaphore, #tpu.memory_space<semaphore_mem>>) src(%arg13 : memref<64x128xf32, #tpu.memory_space<vmem>>) dst(%dma_wait3A_230 : memref<64x128xf32, #tpu.memory_space<vmem_shared>>)
      %dma_wait3A_231 = arith.constant 0 : i32
      %dma_wait3A_232 = tpu.memref_slice %arg5[%add3A_162, %dma_wait3A_231] : memref<12816x128xf32, #tpu.memory_space<vmem_shared>> -> memref<64x128xf32, #tpu.memory_space<vmem_shared>>
      %dma_wait3A_233 = arith.constant 0 : i32
      %dma_wait3A_234 = tpu.memref_slice %arg5[%add3A_162, %dma_wait3A_233] : memref<12816x128xf32, #tpu.memory_space<vmem_shared>> -> memref<64x128xf32, #tpu.memory_space<vmem_shared>>
      tpu.wait_dma2 semaphore(%arg14 : memref<!tpu.dma_semaphore, #tpu.memory_space<semaphore_mem>>) src(%arg13 : memref<64x128xf32, #tpu.memory_space<vmem>>) dst(%dma_wait3A_234 : memref<64x128xf32, #tpu.memory_space<vmem_shared>>)
      %dma_wait3A_235 = arith.constant 0 : i32
      %dma_wait3A_236 = tpu.memref_slice %arg5[%add3A_168, %dma_wait3A_235] : memref<12816x128xf32, #tpu.memory_space<vmem_shared>> -> memref<64x128xf32, #tpu.memory_space<vmem_shared>>
      %dma_wait3A_237 = arith.constant 0 : i32
      %dma_wait3A_238 = tpu.memref_slice %arg5[%add3A_168, %dma_wait3A_237] : memref<12816x128xf32, #tpu.memory_space<vmem_shared>> -> memref<64x128xf32, #tpu.memory_space<vmem_shared>>
      tpu.wait_dma2 semaphore(%arg14 : memref<!tpu.dma_semaphore, #tpu.memory_space<semaphore_mem>>) src(%arg13 : memref<64x128xf32, #tpu.memory_space<vmem>>) dst(%dma_wait3A_238 : memref<64x128xf32, #tpu.memory_space<vmem_shared>>)
      %dma_wait3A_239 = arith.constant 0 : i32
      %dma_wait3A_240 = tpu.memref_slice %arg5[%add3A_174, %dma_wait3A_239] : memref<12816x128xf32, #tpu.memory_space<vmem_shared>> -> memref<64x128xf32, #tpu.memory_space<vmem_shared>>
      %dma_wait3A_241 = arith.constant 0 : i32
      %dma_wait3A_242 = tpu.memref_slice %arg5[%add3A_174, %dma_wait3A_241] : memref<12816x128xf32, #tpu.memory_space<vmem_shared>> -> memref<64x128xf32, #tpu.memory_space<vmem_shared>>
      tpu.wait_dma2 semaphore(%arg14 : memref<!tpu.dma_semaphore, #tpu.memory_space<semaphore_mem>>) src(%arg13 : memref<64x128xf32, #tpu.memory_space<vmem>>) dst(%dma_wait3A_242 : memref<64x128xf32, #tpu.memory_space<vmem_shared>>)
      %dma_wait3A_243 = arith.constant 0 : i32
      %dma_wait3A_244 = tpu.memref_slice %arg5[%add3A_180, %dma_wait3A_243] : memref<12816x128xf32, #tpu.memory_space<vmem_shared>> -> memref<64x128xf32, #tpu.memory_space<vmem_shared>>
      %dma_wait3A_245 = arith.constant 0 : i32
      %dma_wait3A_246 = tpu.memref_slice %arg5[%add3A_180, %dma_wait3A_245] : memref<12816x128xf32, #tpu.memory_space<vmem_shared>> -> memref<64x128xf32, #tpu.memory_space<vmem_shared>>
      tpu.wait_dma2 semaphore(%arg14 : memref<!tpu.dma_semaphore, #tpu.memory_space<semaphore_mem>>) src(%arg13 : memref<64x128xf32, #tpu.memory_space<vmem>>) dst(%dma_wait3A_246 : memref<64x128xf32, #tpu.memory_space<vmem_shared>>)
      %dma_wait3A_247 = arith.constant 0 : i32
      %dma_wait3A_248 = tpu.memref_slice %arg5[%add3A_186, %dma_wait3A_247] : memref<12816x128xf32, #tpu.memory_space<vmem_shared>> -> memref<64x128xf32, #tpu.memory_space<vmem_shared>>
      %dma_wait3A_249 = arith.constant 0 : i32
      %dma_wait3A_250 = tpu.memref_slice %arg5[%add3A_186, %dma_wait3A_249] : memref<12816x128xf32, #tpu.memory_space<vmem_shared>> -> memref<64x128xf32, #tpu.memory_space<vmem_shared>>
      tpu.wait_dma2 semaphore(%arg14 : memref<!tpu.dma_semaphore, #tpu.memory_space<semaphore_mem>>) src(%arg13 : memref<64x128xf32, #tpu.memory_space<vmem>>) dst(%dma_wait3A_250 : memref<64x128xf32, #tpu.memory_space<vmem_shared>>)
      %dma_wait3A_251 = arith.constant 0 : i32
      %dma_wait3A_252 = arith.constant 0 : i32
      %dma_wait3A_253 = tpu.memref_slice %arg13[%dma_wait3A_251, %dma_wait3A_252] : memref<64x128xf32, #tpu.memory_space<vmem>> -> memref<32x128xf32, #tpu.memory_space<vmem>>
      %dma_wait3A_254 = arith.constant 0 : i32
      %dma_wait3A_255 = tpu.memref_slice %arg5[%sub3A_193, %dma_wait3A_254] : memref<12816x128xf32, #tpu.memory_space<vmem_shared>> -> memref<32x128xf32, #tpu.memory_space<vmem_shared>>
      %dma_wait3A_256 = arith.constant 0 : i32
      %dma_wait3A_257 = tpu.memref_slice %arg5[%sub3A_193, %dma_wait3A_256] : memref<12816x128xf32, #tpu.memory_space<vmem_shared>> -> memref<32x128xf32, #tpu.memory_space<vmem_shared>>
      %dma_wait3A_258 = arith.constant 0 : i32
      %dma_wait3A_259 = arith.constant 0 : i32
      %dma_wait3A_260 = tpu.memref_slice %arg13[%dma_wait3A_258, %dma_wait3A_259] : memref<64x128xf32, #tpu.memory_space<vmem>> -> memref<32x128xf32, #tpu.memory_space<vmem>>
      tpu.wait_dma2 semaphore(%arg14 : memref<!tpu.dma_semaphore, #tpu.memory_space<semaphore_mem>>) src(%dma_wait3A_260 : memref<32x128xf32, #tpu.memory_space<vmem>>) dst(%dma_wait3A_257 : memref<32x128xf32, #tpu.memory_space<vmem_shared>>)
      %barrier3A = arith.constant 0 : index
      tpu.barrier barrier_id(%barrier3A)
      %add3A_261 = arith.constant 64 : i32
      %add3A_262 = arith.addi %scan3A_102, %add3A_261 : i32
      %sub3A_263 = arith.constant 1 : i32
      %sub3A_264 = arith.subi %add3A_262, %sub3A_263 : i32
      %jit3A = arith.constant 64 : i32
      %div3A = arith.divsi %sub3A_264, %jit3A : i32
      %sign3A = arith.constant 0 : i32
      %sign3A_265 = arith.cmpi sgt, %sub3A_264, %sign3A : i32
      %sign3A_266 = arith.extui %sign3A_265 : i1 to i32
      %sign3A_267 = arith.constant 0 : i32
      %sign3A_268 = arith.cmpi slt, %sub3A_264, %sign3A_267 : i32
      %sign3A_269 = arith.extui %sign3A_268 : i1 to i32
      %sign3A_270 = arith.subi %sign3A_266, %sign3A_269 : i32
      %sign3A_271 = arith.constant 0 : i32
      %sign3A_272 = arith.cmpi sgt, %jit3A, %sign3A_271 : i32
      %sign3A_273 = arith.extui %sign3A_272 : i1 to i32
      %sign3A_274 = arith.constant 0 : i32
      %sign3A_275 = arith.cmpi slt, %jit3A, %sign3A_274 : i32
      %sign3A_276 = arith.extui %sign3A_275 : i1 to i32
      %sign3A_277 = arith.subi %sign3A_273, %sign3A_276 : i32
      %ne3A = arith.cmpi ne, %sign3A_270, %sign3A_277 : i32
      %rem3A = arith.remsi %sub3A_264, %jit3A : i32
      %ne3A_278 = arith.constant 0 : i32
      %ne3A_279 = arith.cmpi ne, %rem3A, %ne3A_278 : i32
      %and3A = arith.andi %ne3A, %ne3A_279 : i1
      %sub3A_280 = arith.constant 1 : i32
      %sub3A_281 = arith.subi %div3A, %sub3A_280 : i32
      %select_n3A = arith.select %and3A, %sub3A_281, %div3A : i32
      %while3A = arith.constant 0 : i32
      %while3A_282 = arith.constant 0 : i32
      %while3A_283 = arith.subi %select_n3A, %while3A : i32
      %while3A_284 = arith.addi %while3A, %while3A_283 : i32
      %while3A_285 = arith.constant 1 : i32
      %while3A_286 = arith.divsi %while3A_283, %while3A_285 : i32
      %while3A_287 = arith.muli %while3A_286, %while3A_285 : i32
      %while3A_288 = arith.addi %while3A, %while3A_287 : i32
      %while3A_289 = arith.constant 1 : i32
      %while3A_290 = scf.for %while3A_378 = %while3A to %while3A_288 step %while3A_289 iter_args(%while3A_379 = %while3A_282) -> (i32)  : i32 {
        %mul3A_380 = arith.constant 64 : i32
        %mul3A_381 = arith.muli %while3A_378, %mul3A_380 : i32
        %add3A_382 = arith.constant 32 : i32
        %add3A_383 = arith.addi %mul3A_381, %add3A_382 : i32
        %add3A_384 = arith.constant 0 : i32
        %add3A_385 = arith.addi %mul3A_381, %add3A_384 : i32
        %get3A = arith.index_cast %add3A_385 : i32 to index
        %get3A_386 = tpu.vector_load %arg8[%get3A] {strides = array<i32>} : memref<6400xi32, #tpu.memory_space<vmem>>, vector<16xi32>,
        %swap3A_387 = arith.constant 0 : index
        %swap3A_388 = tpu.vector_load %arg9[%swap3A_387] {strides = array<i32>} : memref<32xi32, #tpu.memory_space<vmem>>, vector<16xi32>,
        tpu.vector_store %arg9[%swap3A_387], %get3A_386 {strides = array<i32>} : memref<32xi32, #tpu.memory_space<vmem>>, vector<16xi32>,
        %add3A_389 = arith.constant 0 : i32
        %add3A_390 = arith.addi %mul3A_381, %add3A_389 : i32
        %get3A_391 = arith.index_cast %add3A_390 : i32 to index
        %get3A_392 = tpu.vector_load %arg7[%get3A_391] {strides = array<i32>} : memref<6400xi32, #tpu.memory_space<vmem>>, vector<16xi32>,
        %swap3A_393 = arith.constant 0 : index
        %swap3A_394 = tpu.vector_load %arg10[%swap3A_393] {strides = array<i32>} : memref<32xi32, #tpu.memory_space<vmem>>, vector<16xi32>,
        tpu.vector_store %arg10[%swap3A_393], %get3A_392 {strides = array<i32>} : memref<32xi32, #tpu.memory_space<vmem>>, vector<16xi32>,
        %add3A_395 = arith.constant 16 : i32
        %add3A_396 = arith.addi %mul3A_381, %add3A_395 : i32
        %get3A_397 = arith.index_cast %add3A_396 : i32 to index
        %get3A_398 = tpu.vector_load %arg8[%get3A_397] {strides = array<i32>} : memref<6400xi32, #tpu.memory_space<vmem>>, vector<16xi32>,
        %swap3A_399 = arith.constant 16 : index
        %swap3A_400 = tpu.vector_load %arg9[%swap3A_399] {strides = array<i32>} : memref<32xi32, #tpu.memory_space<vmem>>, vector<16xi32>,
        tpu.vector_store %arg9[%swap3A_399], %get3A_398 {strides = array<i32>} : memref<32xi32, #tpu.memory_space<vmem>>, vector<16xi32>,
        %add3A_401 = arith.constant 16 : i32
        %add3A_402 = arith.addi %mul3A_381, %add3A_401 : i32
        %get3A_403 = arith.index_cast %add3A_402 : i32 to index
        %get3A_404 = tpu.vector_load %arg7[%get3A_403] {strides = array<i32>} : memref<6400xi32, #tpu.memory_space<vmem>>, vector<16xi32>,
        %swap3A_405 = arith.constant 16 : index
        %swap3A_406 = tpu.vector_load %arg10[%swap3A_405] {strides = array<i32>} : memref<32xi32, #tpu.memory_space<vmem>>, vector<16xi32>,
        tpu.vector_store %arg10[%swap3A_405], %get3A_404 {strides = array<i32>} : memref<32xi32, #tpu.memory_space<vmem>>, vector<16xi32>,
        %dma_start3A_407 = arith.constant 0 : i32
        %dma_start3A_408 = arith.constant 0 : i32
        %dma_start3A_409 = tpu.memref_slice %arg13[%dma_start3A_407, %dma_start3A_408] : memref<64x128xf32, #tpu.memory_space<vmem>> -> memref<32x128xf32, #tpu.memory_space<vmem>>
        %dma_start3A_410 = arith.constant 0 : i32
        %dma_start3A_411 = arith.constant 0 : i32
        %dma_start3A_412 = tpu.memref_slice %arg3[%dma_start3A_410, %dma_start3A_411] : memref<100000x128xf32, #tpu.memory_space<hbm>> -> memref<100000x128xf32, #tpu.memory_space<hbm>>
        tpu.enqueue_indirect_dma source(%dma_start3A_412 : memref<100000x128xf32, #tpu.memory_space<hbm>>) target(%dma_start3A_409 : memref<32x128xf32, #tpu.memory_space<vmem>>) offsets(%arg9 : memref<32xi32, #tpu.memory_space<vmem>>) semaphore(%arg14 : memref<!tpu.dma_semaphore, #tpu.memory_space<semaphore_mem>>)
        %add3A_413 = arith.constant 0 : i32
        %add3A_414 = arith.addi %add3A_383, %add3A_413 : i32
        %get3A_415 = arith.index_cast %add3A_414 : i32 to index
        %get3A_416 = tpu.vector_load %arg8[%get3A_415] {strides = array<i32>} : memref<6400xi32, #tpu.memory_space<vmem>>, vector<16xi32>,
        %swap3A_417 = arith.constant 0 : index
        %swap3A_418 = tpu.vector_load %arg11[%swap3A_417] {strides = array<i32>} : memref<32xi32, #tpu.memory_space<vmem>>, vector<16xi32>,
        tpu.vector_store %arg11[%swap3A_417], %get3A_416 {strides = array<i32>} : memref<32xi32, #tpu.memory_space<vmem>>, vector<16xi32>,
        %add3A_419 = arith.constant 0 : i32
        %add3A_420 = arith.addi %add3A_383, %add3A_419 : i32
        %get3A_421 = arith.index_cast %add3A_420 : i32 to index
        %get3A_422 = tpu.vector_load %arg7[%get3A_421] {strides = array<i32>} : memref<6400xi32, #tpu.memory_space<vmem>>, vector<16xi32>,
        %swap3A_423 = arith.constant 0 : index
        %swap3A_424 = tpu.vector_load %arg12[%swap3A_423] {strides = array<i32>} : memref<32xi32, #tpu.memory_space<vmem>>, vector<16xi32>,
        tpu.vector_store %arg12[%swap3A_423], %get3A_422 {strides = array<i32>} : memref<32xi32, #tpu.memory_space<vmem>>, vector<16xi32>,
        %add3A_425 = arith.constant 16 : i32
        %add3A_426 = arith.addi %add3A_383, %add3A_425 : i32
        %get3A_427 = arith.index_cast %add3A_426 : i32 to index
        %get3A_428 = tpu.vector_load %arg8[%get3A_427] {strides = array<i32>} : memref<6400xi32, #tpu.memory_space<vmem>>, vector<16xi32>,
        %swap3A_429 = arith.constant 16 : index
        %swap3A_430 = tpu.vector_load %arg11[%swap3A_429] {strides = array<i32>} : memref<32xi32, #tpu.memory_space<vmem>>, vector<16xi32>,
        tpu.vector_store %arg11[%swap3A_429], %get3A_428 {strides = array<i32>} : memref<32xi32, #tpu.memory_space<vmem>>, vector<16xi32>,
        %add3A_431 = arith.constant 16 : i32
        %add3A_432 = arith.addi %add3A_383, %add3A_431 : i32
        %get3A_433 = arith.index_cast %add3A_432 : i32 to index
        %get3A_434 = tpu.vector_load %arg7[%get3A_433] {strides = array<i32>} : memref<6400xi32, #tpu.memory_space<vmem>>, vector<16xi32>,
        %swap3A_435 = arith.constant 16 : index
        %swap3A_436 = tpu.vector_load %arg12[%swap3A_435] {strides = array<i32>} : memref<32xi32, #tpu.memory_space<vmem>>, vector<16xi32>,
        tpu.vector_store %arg12[%swap3A_435], %get3A_434 {strides = array<i32>} : memref<32xi32, #tpu.memory_space<vmem>>, vector<16xi32>,
        %dma_start3A_437 = arith.constant 32 : i32
        %dma_start3A_438 = arith.constant 0 : i32
        %dma_start3A_439 = tpu.memref_slice %arg13[%dma_start3A_437, %dma_start3A_438] : memref<64x128xf32, #tpu.memory_space<vmem>> -> memref<32x128xf32, #tpu.memory_space<vmem>>
        %dma_start3A_440 = arith.constant 0 : i32
        %dma_start3A_441 = arith.constant 0 : i32
        %dma_start3A_442 = tpu.memref_slice %arg3[%dma_start3A_440, %dma_start3A_441] : memref<100000x128xf32, #tpu.memory_space<hbm>> -> memref<100000x128xf32, #tpu.memory_space<hbm>>
        tpu.enqueue_indirect_dma source(%dma_start3A_442 : memref<100000x128xf32, #tpu.memory_space<hbm>>) target(%dma_start3A_439 : memref<32x128xf32, #tpu.memory_space<vmem>>) offsets(%arg11 : memref<32xi32, #tpu.memory_space<vmem>>) semaphore(%arg15 : memref<!tpu.dma_semaphore, #tpu.memory_space<semaphore_mem>>)
        %dma_wait3A_443 = arith.constant 0 : i32
        %dma_wait3A_444 = arith.constant 0 : i32
        %dma_wait3A_445 = tpu.memref_slice %arg13[%dma_wait3A_443, %dma_wait3A_444] : memref<64x128xf32, #tpu.memory_space<vmem>> -> memref<32x128xf32, #tpu.memory_space<vmem>>
        %dma_wait3A_446 = arith.constant 0 : i32
        %dma_wait3A_447 = arith.constant 0 : i32
        %dma_wait3A_448 = tpu.memref_slice %arg3[%dma_wait3A_446, %dma_wait3A_447] : memref<100000x128xf32, #tpu.memory_space<hbm>> -> memref<100000x128xf32, #tpu.memory_space<hbm>>
        tpu.wait_indirect_dma semaphore(%arg14 : memref<!tpu.dma_semaphore, #tpu.memory_space<semaphore_mem>>) src(%dma_wait3A_448 : memref<100000x128xf32, #tpu.memory_space<hbm>>) dst(%dma_wait3A_445 : memref<32x128xf32, #tpu.memory_space<vmem>>)
        "tpu.region"() ({
          %run_scoped3A_456 = tpu.sem_alloc : memref<!tpu.dma_semaphore, #tpu.memory_space<semaphore_mem>>
          %dma_start3A_457 = arith.constant 0 : i32
          %dma_start3A_458 = arith.constant 0 : i32
          %dma_start3A_459 = tpu.memref_slice %arg13[%dma_start3A_457, %dma_start3A_458] : memref<64x128xf32, #tpu.memory_space<vmem>> -> memref<32x128xf32, #tpu.memory_space<vmem>>
          %dma_start3A_460 = arith.constant 0 : i32
          %dma_start3A_461 = arith.constant 0 : i32
          %dma_start3A_462 = tpu.memref_slice %arg5[%dma_start3A_460, %dma_start3A_461] : memref<12816x128xf32, #tpu.memory_space<vmem_shared>> -> memref<12816x128xf32, #tpu.memory_space<vmem_shared>>
          tpu.enqueue_indirect_dma source(%dma_start3A_459 : memref<32x128xf32, #tpu.memory_space<vmem>>) target(%dma_start3A_462 : memref<12816x128xf32, #tpu.memory_space<vmem_shared>>) offsets(%arg10 : memref<32xi32, #tpu.memory_space<vmem>>) semaphore(%run_scoped3A_456 : memref<!tpu.dma_semaphore, #tpu.memory_space<semaphore_mem>>) {add = true}
          %dma_wait3A_463 = arith.constant 0 : i32
          %dma_wait3A_464 = arith.constant 0 : i32
          %dma_wait3A_465 = tpu.memref_slice %arg13[%dma_wait3A_463, %dma_wait3A_464] : memref<64x128xf32, #tpu.memory_space<vmem>> -> memref<32x128xf32, #tpu.memory_space<vmem>>
          %dma_wait3A_466 = arith.constant 0 : i32
          %dma_wait3A_467 = arith.constant 0 : i32
          %dma_wait3A_468 = tpu.memref_slice %arg5[%dma_wait3A_466, %dma_wait3A_467] : memref<12816x128xf32, #tpu.memory_space<vmem_shared>> -> memref<12816x128xf32, #tpu.memory_space<vmem_shared>>
          tpu.wait_indirect_dma semaphore(%run_scoped3A_456 : memref<!tpu.dma_semaphore, #tpu.memory_space<semaphore_mem>>) src(%dma_wait3A_465 : memref<32x128xf32, #tpu.memory_space<vmem>>) dst(%dma_wait3A_468 : memref<12816x128xf32, #tpu.memory_space<vmem_shared>>)
          tpu.yield
        }) : () -> ()
        %dma_wait3A_449 = arith.constant 32 : i32
        %dma_wait3A_450 = arith.constant 0 : i32
        %dma_wait3A_451 = tpu.memref_slice %arg13[%dma_wait3A_449, %dma_wait3A_450] : memref<64x128xf32, #tpu.memory_space<vmem>> -> memref<32x128xf32, #tpu.memory_space<vmem>>
        %dma_wait3A_452 = arith.constant 0 : i32
        %dma_wait3A_453 = arith.constant 0 : i32
        %dma_wait3A_454 = tpu.memref_slice %arg3[%dma_wait3A_452, %dma_wait3A_453] : memref<100000x128xf32, #tpu.memory_space<hbm>> -> memref<100000x128xf32, #tpu.memory_space<hbm>>
        tpu.wait_indirect_dma semaphore(%arg15 : memref<!tpu.dma_semaphore, #tpu.memory_space<semaphore_mem>>) src(%dma_wait3A_454 : memref<100000x128xf32, #tpu.memory_space<hbm>>) dst(%dma_wait3A_451 : memref<32x128xf32, #tpu.memory_space<vmem>>)
        "tpu.region"() ({
          %run_scoped3A_456 = tpu.sem_alloc : memref<!tpu.dma_semaphore, #tpu.memory_space<semaphore_mem>>
          %dma_start3A_457 = arith.constant 32 : i32
          %dma_start3A_458 = arith.constant 0 : i32
          %dma_start3A_459 = tpu.memref_slice %arg13[%dma_start3A_457, %dma_start3A_458] : memref<64x128xf32, #tpu.memory_space<vmem>> -> memref<32x128xf32, #tpu.memory_space<vmem>>
          %dma_start3A_460 = arith.constant 0 : i32
          %dma_start3A_461 = arith.constant 0 : i32
          %dma_start3A_462 = tpu.memref_slice %arg5[%dma_start3A_460, %dma_start3A_461] : memref<12816x128xf32, #tpu.memory_space<vmem_shared>> -> memref<12816x128xf32, #tpu.memory_space<vmem_shared>>
          tpu.enqueue_indirect_dma source(%dma_start3A_459 : memref<32x128xf32, #tpu.memory_space<vmem>>) target(%dma_start3A_462 : memref<12816x128xf32, #tpu.memory_space<vmem_shared>>) offsets(%arg12 : memref<32xi32, #tpu.memory_space<vmem>>) semaphore(%run_scoped3A_456 : memref<!tpu.dma_semaphore, #tpu.memory_space<semaphore_mem>>) {add = true}
          %dma_wait3A_463 = arith.constant 32 : i32
          %dma_wait3A_464 = arith.constant 0 : i32
          %dma_wait3A_465 = tpu.memref_slice %arg13[%dma_wait3A_463, %dma_wait3A_464] : memref<64x128xf32, #tpu.memory_space<vmem>> -> memref<32x128xf32, #tpu.memory_space<vmem>>
          %dma_wait3A_466 = arith.constant 0 : i32
          %dma_wait3A_467 = arith.constant 0 : i32
          %dma_wait3A_468 = tpu.memref_slice %arg5[%dma_wait3A_466, %dma_wait3A_467] : memref<12816x128xf32, #tpu.memory_space<vmem_shared>> -> memref<12816x128xf32, #tpu.memory_space<vmem_shared>>
          tpu.wait_indirect_dma semaphore(%run_scoped3A_456 : memref<!tpu.dma_semaphore, #tpu.memory_space<semaphore_mem>>) src(%dma_wait3A_465 : memref<32x128xf32, #tpu.memory_space<vmem>>) dst(%dma_wait3A_468 : memref<12816x128xf32, #tpu.memory_space<vmem_shared>>)
          tpu.yield
        }) : () -> ()
        %while3A_455 = arith.constant 0 : i32
        scf.yield %while3A_455 : i32
      }
      %while3A_291 = arith.constant 1 : i32
      %while3A_292 = scf.for %while3A_378 = %while3A_288 to %while3A_284 step %while3A_291 iter_args(%while3A_379 = %while3A_290) -> (i32)  : i32 {
        %mul3A_380 = arith.constant 64 : i32
        %mul3A_381 = arith.muli %while3A_378, %mul3A_380 : i32
        %add3A_382 = arith.constant 32 : i32
        %add3A_383 = arith.addi %mul3A_381, %add3A_382 : i32
        %add3A_384 = arith.constant 0 : i32
        %add3A_385 = arith.addi %mul3A_381, %add3A_384 : i32
        %get3A = arith.index_cast %add3A_385 : i32 to index
        %get3A_386 = tpu.vector_load %arg8[%get3A] {strides = array<i32>} : memref<6400xi32, #tpu.memory_space<vmem>>, vector<16xi32>,
        %swap3A_387 = arith.constant 0 : index
        %swap3A_388 = tpu.vector_load %arg9[%swap3A_387] {strides = array<i32>} : memref<32xi32, #tpu.memory_space<vmem>>, vector<16xi32>,
        tpu.vector_store %arg9[%swap3A_387], %get3A_386 {strides = array<i32>} : memref<32xi32, #tpu.memory_space<vmem>>, vector<16xi32>,
        %add3A_389 = arith.constant 0 : i32
        %add3A_390 = arith.addi %mul3A_381, %add3A_389 : i32
        %get3A_391 = arith.index_cast %add3A_390 : i32 to index
        %get3A_392 = tpu.vector_load %arg7[%get3A_391] {strides = array<i32>} : memref<6400xi32, #tpu.memory_space<vmem>>, vector<16xi32>,
        %swap3A_393 = arith.constant 0 : index
        %swap3A_394 = tpu.vector_load %arg10[%swap3A_393] {strides = array<i32>} : memref<32xi32, #tpu.memory_space<vmem>>, vector<16xi32>,
        tpu.vector_store %arg10[%swap3A_393], %get3A_392 {strides = array<i32>} : memref<32xi32, #tpu.memory_space<vmem>>, vector<16xi32>,
        %add3A_395 = arith.constant 16 : i32
        %add3A_396 = arith.addi %mul3A_381, %add3A_395 : i32
        %get3A_397 = arith.index_cast %add3A_396 : i32 to index
        %get3A_398 = tpu.vector_load %arg8[%get3A_397] {strides = array<i32>} : memref<6400xi32, #tpu.memory_space<vmem>>, vector<16xi32>,
        %swap3A_399 = arith.constant 16 : index
        %swap3A_400 = tpu.vector_load %arg9[%swap3A_399] {strides = array<i32>} : memref<32xi32, #tpu.memory_space<vmem>>, vector<16xi32>,
        tpu.vector_store %arg9[%swap3A_399], %get3A_398 {strides = array<i32>} : memref<32xi32, #tpu.memory_space<vmem>>, vector<16xi32>,
        %add3A_401 = arith.constant 16 : i32
        %add3A_402 = arith.addi %mul3A_381, %add3A_401 : i32
        %get3A_403 = arith.index_cast %add3A_402 : i32 to index
        %get3A_404 = tpu.vector_load %arg7[%get3A_403] {strides = array<i32>} : memref<6400xi32, #tpu.memory_space<vmem>>, vector<16xi32>,
        %swap3A_405 = arith.constant 16 : index
        %swap3A_406 = tpu.vector_load %arg10[%swap3A_405] {strides = array<i32>} : memref<32xi32, #tpu.memory_space<vmem>>, vector<16xi32>,
        tpu.vector_store %arg10[%swap3A_405], %get3A_404 {strides = array<i32>} : memref<32xi32, #tpu.memory_space<vmem>>, vector<16xi32>,
        %dma_start3A_407 = arith.constant 0 : i32
        %dma_start3A_408 = arith.constant 0 : i32
        %dma_start3A_409 = tpu.memref_slice %arg13[%dma_start3A_407, %dma_start3A_408] : memref<64x128xf32, #tpu.memory_space<vmem>> -> memref<32x128xf32, #tpu.memory_space<vmem>>
        %dma_start3A_410 = arith.constant 0 : i32
        %dma_start3A_411 = arith.constant 0 : i32
        %dma_start3A_412 = tpu.memref_slice %arg3[%dma_start3A_410, %dma_start3A_411] : memref<100000x128xf32, #tpu.memory_space<hbm>> -> memref<100000x128xf32, #tpu.memory_space<hbm>>
        tpu.enqueue_indirect_dma source(%dma_start3A_412 : memref<100000x128xf32, #tpu.memory_space<hbm>>) target(%dma_start3A_409 : memref<32x128xf32, #tpu.memory_space<vmem>>) offsets(%arg9 : memref<32xi32, #tpu.memory_space<vmem>>) semaphore(%arg14 : memref<!tpu.dma_semaphore, #tpu.memory_space<semaphore_mem>>)
        %add3A_413 = arith.constant 0 : i32
        %add3A_414 = arith.addi %add3A_383, %add3A_413 : i32
        %get3A_415 = arith.index_cast %add3A_414 : i32 to index
        %get3A_416 = tpu.vector_load %arg8[%get3A_415] {strides = array<i32>} : memref<6400xi32, #tpu.memory_space<vmem>>, vector<16xi32>,
        %swap3A_417 = arith.constant 0 : index
        %swap3A_418 = tpu.vector_load %arg11[%swap3A_417] {strides = array<i32>} : memref<32xi32, #tpu.memory_space<vmem>>, vector<16xi32>,
        tpu.vector_store %arg11[%swap3A_417], %get3A_416 {strides = array<i32>} : memref<32xi32, #tpu.memory_space<vmem>>, vector<16xi32>,
        %add3A_419 = arith.constant 0 : i32
        %add3A_420 = arith.addi %add3A_383, %add3A_419 : i32
        %get3A_421 = arith.index_cast %add3A_420 : i32 to index
        %get3A_422 = tpu.vector_load %arg7[%get3A_421] {strides = array<i32>} : memref<6400xi32, #tpu.memory_space<vmem>>, vector<16xi32>,
        %swap3A_423 = arith.constant 0 : index
        %swap3A_424 = tpu.vector_load %arg12[%swap3A_423] {strides = array<i32>} : memref<32xi32, #tpu.memory_space<vmem>>, vector<16xi32>,
        tpu.vector_store %arg12[%swap3A_423], %get3A_422 {strides = array<i32>} : memref<32xi32, #tpu.memory_space<vmem>>, vector<16xi32>,
        %add3A_425 = arith.constant 16 : i32
        %add3A_426 = arith.addi %add3A_383, %add3A_425 : i32
        %get3A_427 = arith.index_cast %add3A_426 : i32 to index
        %get3A_428 = tpu.vector_load %arg8[%get3A_427] {strides = array<i32>} : memref<6400xi32, #tpu.memory_space<vmem>>, vector<16xi32>,
        %swap3A_429 = arith.constant 16 : index
        %swap3A_430 = tpu.vector_load %arg11[%swap3A_429] {strides = array<i32>} : memref<32xi32, #tpu.memory_space<vmem>>, vector<16xi32>,
        tpu.vector_store %arg11[%swap3A_429], %get3A_428 {strides = array<i32>} : memref<32xi32, #tpu.memory_space<vmem>>, vector<16xi32>,
        %add3A_431 = arith.constant 16 : i32
        %add3A_432 = arith.addi %add3A_383, %add3A_431 : i32
        %get3A_433 = arith.index_cast %add3A_432 : i32 to index
        %get3A_434 = tpu.vector_load %arg7[%get3A_433] {strides = array<i32>} : memref<6400xi32, #tpu.memory_space<vmem>>, vector<16xi32>,
        %swap3A_435 = arith.constant 16 : index
        %swap3A_436 = tpu.vector_load %arg12[%swap3A_435] {strides = array<i32>} : memref<32xi32, #tpu.memory_space<vmem>>, vector<16xi32>,
        tpu.vector_store %arg12[%swap3A_435], %get3A_434 {strides = array<i32>} : memref<32xi32, #tpu.memory_space<vmem>>, vector<16xi32>,
        %dma_start3A_437 = arith.constant 32 : i32
        %dma_start3A_438 = arith.constant 0 : i32
        %dma_start3A_439 = tpu.memref_slice %arg13[%dma_start3A_437, %dma_start3A_438] : memref<64x128xf32, #tpu.memory_space<vmem>> -> memref<32x128xf32, #tpu.memory_space<vmem>>
        %dma_start3A_440 = arith.constant 0 : i32
        %dma_start3A_441 = arith.constant 0 : i32
        %dma_start3A_442 = tpu.memref_slice %arg3[%dma_start3A_440, %dma_start3A_441] : memref<100000x128xf32, #tpu.memory_space<hbm>> -> memref<100000x128xf32, #tpu.memory_space<hbm>>
        tpu.enqueue_indirect_dma source(%dma_start3A_442 : memref<100000x128xf32, #tpu.memory_space<hbm>>) target(%dma_start3A_439 : memref<32x128xf32, #tpu.memory_space<vmem>>) offsets(%arg11 : memref<32xi32, #tpu.memory_space<vmem>>) semaphore(%arg15 : memref<!tpu.dma_semaphore, #tpu.memory_space<semaphore_mem>>)
        %dma_wait3A_443 = arith.constant 0 : i32
        %dma_wait3A_444 = arith.constant 0 : i32
        %dma_wait3A_445 = tpu.memref_slice %arg13[%dma_wait3A_443, %dma_wait3A_444] : memref<64x128xf32, #tpu.memory_space<vmem>> -> memref<32x128xf32, #tpu.memory_space<vmem>>
        %dma_wait3A_446 = arith.constant 0 : i32
        %dma_wait3A_447 = arith.constant 0 : i32
        %dma_wait3A_448 = tpu.memref_slice %arg3[%dma_wait3A_446, %dma_wait3A_447] : memref<100000x128xf32, #tpu.memory_space<hbm>> -> memref<100000x128xf32, #tpu.memory_space<hbm>>
        tpu.wait_indirect_dma semaphore(%arg14 : memref<!tpu.dma_semaphore, #tpu.memory_space<semaphore_mem>>) src(%dma_wait3A_448 : memref<100000x128xf32, #tpu.memory_space<hbm>>) dst(%dma_wait3A_445 : memref<32x128xf32, #tpu.memory_space<vmem>>)
        "tpu.region"() ({
          %run_scoped3A_456 = tpu.sem_alloc : memref<!tpu.dma_semaphore, #tpu.memory_space<semaphore_mem>>
          %dma_start3A_457 = arith.constant 0 : i32
          %dma_start3A_458 = arith.constant 0 : i32
          %dma_start3A_459 = tpu.memref_slice %arg13[%dma_start3A_457, %dma_start3A_458] : memref<64x128xf32, #tpu.memory_space<vmem>> -> memref<32x128xf32, #tpu.memory_space<vmem>>
          %dma_start3A_460 = arith.constant 0 : i32
          %dma_start3A_461 = arith.constant 0 : i32
          %dma_start3A_462 = tpu.memref_slice %arg5[%dma_start3A_460, %dma_start3A_461] : memref<12816x128xf32, #tpu.memory_space<vmem_shared>> -> memref<12816x128xf32, #tpu.memory_space<vmem_shared>>
          tpu.enqueue_indirect_dma source(%dma_start3A_459 : memref<32x128xf32, #tpu.memory_space<vmem>>) target(%dma_start3A_462 : memref<12816x128xf32, #tpu.memory_space<vmem_shared>>) offsets(%arg10 : memref<32xi32, #tpu.memory_space<vmem>>) semaphore(%run_scoped3A_456 : memref<!tpu.dma_semaphore, #tpu.memory_space<semaphore_mem>>) {add = true}
          %dma_wait3A_463 = arith.constant 0 : i32
          %dma_wait3A_464 = arith.constant 0 : i32
          %dma_wait3A_465 = tpu.memref_slice %arg13[%dma_wait3A_463, %dma_wait3A_464] : memref<64x128xf32, #tpu.memory_space<vmem>> -> memref<32x128xf32, #tpu.memory_space<vmem>>
          %dma_wait3A_466 = arith.constant 0 : i32
          %dma_wait3A_467 = arith.constant 0 : i32
          %dma_wait3A_468 = tpu.memref_slice %arg5[%dma_wait3A_466, %dma_wait3A_467] : memref<12816x128xf32, #tpu.memory_space<vmem_shared>> -> memref<12816x128xf32, #tpu.memory_space<vmem_shared>>
          tpu.wait_indirect_dma semaphore(%run_scoped3A_456 : memref<!tpu.dma_semaphore, #tpu.memory_space<semaphore_mem>>) src(%dma_wait3A_465 : memref<32x128xf32, #tpu.memory_space<vmem>>) dst(%dma_wait3A_468 : memref<12816x128xf32, #tpu.memory_space<vmem_shared>>)
          tpu.yield
        }) : () -> ()
        %dma_wait3A_449 = arith.constant 32 : i32
        %dma_wait3A_450 = arith.constant 0 : i32
        %dma_wait3A_451 = tpu.memref_slice %arg13[%dma_wait3A_449, %dma_wait3A_450] : memref<64x128xf32, #tpu.memory_space<vmem>> -> memref<32x128xf32, #tpu.memory_space<vmem>>
        %dma_wait3A_452 = arith.constant 0 : i32
        %dma_wait3A_453 = arith.constant 0 : i32
        %dma_wait3A_454 = tpu.memref_slice %arg3[%dma_wait3A_452, %dma_wait3A_453] : memref<100000x128xf32, #tpu.memory_space<hbm>> -> memref<100000x128xf32, #tpu.memory_space<hbm>>
        tpu.wait_indirect_dma semaphore(%arg15 : memref<!tpu.dma_semaphore, #tpu.memory_space<semaphore_mem>>) src(%dma_wait3A_454 : memref<100000x128xf32, #tpu.memory_space<hbm>>) dst(%dma_wait3A_451 : memref<32x128xf32, #tpu.memory_space<vmem>>)
        "tpu.region"() ({
          %run_scoped3A_456 = tpu.sem_alloc : memref<!tpu.dma_semaphore, #tpu.memory_space<semaphore_mem>>
          %dma_start3A_457 = arith.constant 32 : i32
          %dma_start3A_458 = arith.constant 0 : i32
          %dma_start3A_459 = tpu.memref_slice %arg13[%dma_start3A_457, %dma_start3A_458] : memref<64x128xf32, #tpu.memory_space<vmem>> -> memref<32x128xf32, #tpu.memory_space<vmem>>
          %dma_start3A_460 = arith.constant 0 : i32
          %dma_start3A_461 = arith.constant 0 : i32
          %dma_start3A_462 = tpu.memref_slice %arg5[%dma_start3A_460, %dma_start3A_461] : memref<12816x128xf32, #tpu.memory_space<vmem_shared>> -> memref<12816x128xf32, #tpu.memory_space<vmem_shared>>
          tpu.enqueue_indirect_dma source(%dma_start3A_459 : memref<32x128xf32, #tpu.memory_space<vmem>>) target(%dma_start3A_462 : memref<12816x128xf32, #tpu.memory_space<vmem_shared>>) offsets(%arg12 : memref<32xi32, #tpu.memory_space<vmem>>) semaphore(%run_scoped3A_456 : memref<!tpu.dma_semaphore, #tpu.memory_space<semaphore_mem>>) {add = true}
          %dma_wait3A_463 = arith.constant 32 : i32
          %dma_wait3A_464 = arith.constant 0 : i32
          %dma_wait3A_465 = tpu.memref_slice %arg13[%dma_wait3A_463, %dma_wait3A_464] : memref<64x128xf32, #tpu.memory_space<vmem>> -> memref<32x128xf32, #tpu.memory_space<vmem>>
          %dma_wait3A_466 = arith.constant 0 : i32
          %dma_wait3A_467 = arith.constant 0 : i32
          %dma_wait3A_468 = tpu.memref_slice %arg5[%dma_wait3A_466, %dma_wait3A_467] : memref<12816x128xf32, #tpu.memory_space<vmem_shared>> -> memref<12816x128xf32, #tpu.memory_space<vmem_shared>>
          tpu.wait_indirect_dma semaphore(%run_scoped3A_456 : memref<!tpu.dma_semaphore, #tpu.memory_space<semaphore_mem>>) src(%dma_wait3A_465 : memref<32x128xf32, #tpu.memory_space<vmem>>) dst(%dma_wait3A_468 : memref<12816x128xf32, #tpu.memory_space<vmem_shared>>)
          tpu.yield
        }) : () -> ()
        %while3A_455 = arith.constant 0 : i32
        scf.yield %while3A_455 : i32
      }
      %barrier3A_293 = arith.constant 0 : index
      tpu.barrier barrier_id(%barrier3A_293)
      %mul3A_294 = arith.constant 800 : i32
      %mul3A_295 = arith.muli %arg1, %mul3A_294 : i32
      %sub3A_296 = arith.constant 0 : i32
      %sub3A_297 = arith.subi %mul3A_109, %sub3A_296 : i32
      %add3A_298 = arith.addi %sub3A_297, %mul3A_295 : i32
      %dma_start3A_299 = arith.constant 0 : i32
      %dma_start3A_300 = tpu.memref_slice %arg4[%add3A_298, %dma_start3A_299] : memref<281600x128xf32, #tpu.memory_space<hbm>> -> memref<800x128xf32, #tpu.memory_space<hbm>>
      %dma_start3A_301 = arith.constant 0 : i32
      %dma_start3A_302 = tpu.memref_slice %arg5[%mul3A_295, %dma_start3A_301] : memref<12816x128xf32, #tpu.memory_space<vmem_shared>> -> memref<800x128xf32, #tpu.memory_space<vmem_shared>>
      tpu.enqueue_dma source(%dma_start3A_302 : memref<800x128xf32, #tpu.memory_space<vmem_shared>>) target(%dma_start3A_300 : memref<800x128xf32, #tpu.memory_space<hbm>>) target_semaphore(%arg14 : memref<!tpu.dma_semaphore, #tpu.memory_space<semaphore_mem>>)
      %add3A_303 = arith.constant 1 : i32
      %add3A_304 = arith.addi %scan3A_101, %add3A_303 : i32
      %mul3A_305 = arith.constant 2 : i32
      %mul3A_306 = arith.muli %add3A_304, %mul3A_305 : i32
      %add3A_307 = arith.constant 0 : i32
      %add3A_308 = arith.addi %add3A_307, %mul3A_306 : i32
      %add3A_309 = arith.addi %add3A_308, %arg0 : i32
      %mul3A_310 = arith.constant 12800 : i32
      %mul3A_311 = arith.muli %add3A_309, %mul3A_310 : i32
      %scan3A_312 = arith.constant 0 : i32
      %scan3A_313 = arith.constant 0 : i32
      %scan3A_314 = arith.constant 392 : i32
      %scan3A_315 = arith.addi %scan3A_313, %scan3A_314 : i32
      %scan3A_316 = arith.constant 1 : i32
      %scan3A_317 = scf.for %scan3A_378 = %scan3A_313 to %scan3A_315 step %scan3A_316 iter_args(%scan3A_379 = %scan3A_312) -> (i32)  : i32 {
        %mul3A_380 = arith.constant 16 : i32
        %mul3A_381 = arith.muli %scan3A_378, %mul3A_380 : i32
        %get3A = arith.index_cast %mul3A_381 : i32 to index
        %get3A_382 = tpu.vector_load %arg6[%get3A] {strides = array<i32>} : memref<6272xi32, #tpu.memory_space<vmem>>, vector<16xi32>,
        %sub3A_383 = vector.broadcast %mul3A_311 : i32 to vector<16xi32>
        %sub3A_384 = arith.subi %get3A_382, %sub3A_383 : vector<16xi32>
        %ge3A = arith.constant 0 : i32
        %ge3A_385 = vector.broadcast %ge3A : i32 to vector<16xi32>
        %ge3A_386 = arith.cmpi sge, %sub3A_384, %ge3A_385 : vector<16xi32>
        %lt3A = arith.constant 12800 : i32
        %lt3A_387 = vector.broadcast %lt3A : i32 to vector<16xi32>
        %lt3A_388 = arith.cmpi slt, %sub3A_384, %lt3A_387 : vector<16xi32>
        %and3A_389 = arith.andi %ge3A_386, %lt3A_388 : vector<16xi1>
        %convert_element_type3A = arith.extui %and3A_389 : vector<16xi1> to vector<16xi32>
        %broadcast_in_dim3A_390 = arith.constant true
        %broadcast_in_dim3A_391 = vector.broadcast %broadcast_in_dim3A_390 : i1 to vector<16xi1>
        %masked_cumsum3A = tpu.scan <sum>, %convert_element_type3A masked %broadcast_in_dim3A_391 : vector<16xi32>, vector<16xi1> -> vector<16xi32>
        %add3A_392 = vector.broadcast %scan3A_379 : i32 to vector<16xi32>
        %add3A_393 = arith.addi %add3A_392, %masked_cumsum3A : vector<16xi32>
        %sub3A_394 = arith.constant 1 : i32
        %sub3A_395 = vector.broadcast %sub3A_394 : i32 to vector<16xi32>
        %sub3A_396 = arith.subi %add3A_393, %sub3A_395 : vector<16xi32>
        %add3A_397 = arith.addi %mul3A_0, %mul3A_381 : i32
        %add3A_398 = vector.broadcast %add3A_397 : i32 to vector<16xi32>
        %add3A_399 = arith.addi %add3A_398, %iota3A : vector<16xi32>
        tpu.vector_store_idx %arg7[%sub3A_396], %sub3A_384 masked %and3A_389 : memref<6400xi32, #tpu.memory_space<vmem>>[vector<16xi32>], vector<16xi32>, vector<16xi1>
        tpu.vector_store_idx %arg8[%sub3A_396], %add3A_399 masked %and3A_389 : memref<6400xi32, #tpu.memory_space<vmem>>[vector<16xi32>], vector<16xi32>, vector<16xi1>
        %slice3A = vector.extract_strided_slice %masked_cumsum3A {offsets = [15], sizes = [1], strides = [1]} : vector<16xi32> to vector<1xi32>
        %squeeze3A = vector.extract %slice3A[0] : i32 from vector<1xi32>
        %add3A_400 = arith.addi %scan3A_379, %squeeze3A : i32
        scf.yield %add3A_400 : i32
      }
      %scan3A_318 = arith.constant 392 : i32
      %add3A_319 = arith.constant 12800 : i32
      %add3A_320 = vector.broadcast %add3A_319 : i32 to vector<16xi32>
      %add3A_321 = arith.addi %add3A_320, %iota3A : vector<16xi32>
      %add3A_322 = arith.constant 0 : i32
      %add3A_323 = arith.addi %scan3A_317, %add3A_322 : i32
      %swap3A_324 = arith.index_cast %add3A_323 : i32 to index
      %swap3A_325 = tpu.vector_load %arg7[%swap3A_324] {strides = array<i32>} : memref<6400xi32, #tpu.memory_space<vmem>>, vector<16xi32>,
      tpu.vector_store %arg7[%swap3A_324], %add3A_321 {strides = array<i32>} : memref<6400xi32, #tpu.memory_space<vmem>>, vector<16xi32>,
      %add3A_326 = arith.constant 0 : i32
      %add3A_327 = arith.addi %scan3A_317, %add3A_326 : i32
      %swap3A_328 = arith.index_cast %add3A_327 : i32 to index
      %swap3A_329 = tpu.vector_load %arg8[%swap3A_328] {strides = array<i32>} : memref<6400xi32, #tpu.memory_space<vmem>>, vector<16xi32>,
      tpu.vector_store %arg8[%swap3A_328], %iota3A {strides = array<i32>} : memref<6400xi32, #tpu.memory_space<vmem>>, vector<16xi32>,
      %add3A_330 = arith.constant 12800 : i32
      %add3A_331 = vector.broadcast %add3A_330 : i32 to vector<16xi32>
      %add3A_332 = arith.addi %add3A_331, %iota3A : vector<16xi32>
      %add3A_333 = arith.constant 16 : i32
      %add3A_334 = arith.addi %scan3A_317, %add3A_333 : i32
      %swap3A_335 = arith.index_cast %add3A_334 : i32 to index
      %swap3A_336 = tpu.vector_load %arg7[%swap3A_335] {strides = array<i32>} : memref<6400xi32, #tpu.memory_space<vmem>>, vector<16xi32>,
      tpu.vector_store %arg7[%swap3A_335], %add3A_332 {strides = array<i32>} : memref<6400xi32, #tpu.memory_space<vmem>>, vector<16xi32>,
      %add3A_337 = arith.constant 16 : i32
      %add3A_338 = arith.addi %scan3A_317, %add3A_337 : i32
      %swap3A_339 = arith.index_cast %add3A_338 : i32 to index
      %swap3A_340 = tpu.vector_load %arg8[%swap3A_339] {strides = array<i32>} : memref<6400xi32, #tpu.memory_space<vmem>>, vector<16xi32>,
      tpu.vector_store %arg8[%swap3A_339], %iota3A {strides = array<i32>} : memref<6400xi32, #tpu.memory_space<vmem>>, vector<16xi32>,
      %add3A_341 = arith.constant 12800 : i32
      %add3A_342 = vector.broadcast %add3A_341 : i32 to vector<16xi32>
      %add3A_343 = arith.addi %add3A_342, %iota3A : vector<16xi32>
      %add3A_344 = arith.constant 32 : i32
      %add3A_345 = arith.addi %scan3A_317, %add3A_344 : i32
      %swap3A_346 = arith.index_cast %add3A_345 : i32 to index
      %swap3A_347 = tpu.vector_load %arg7[%swap3A_346] {strides = array<i32>} : memref<6400xi32, #tpu.memory_space<vmem>>, vector<16xi32>,
      tpu.vector_store %arg7[%swap3A_346], %add3A_343 {strides = array<i32>} : memref<6400xi32, #tpu.memory_space<vmem>>, vector<16xi32>,
      %add3A_348 = arith.constant 32 : i32
      %add3A_349 = arith.addi %scan3A_317, %add3A_348 : i32
      %swap3A_350 = arith.index_cast %add3A_349 : i32 to index
      %swap3A_351 = tpu.vector_load %arg8[%swap3A_350] {strides = array<i32>} : memref<6400xi32, #tpu.memory_space<vmem>>, vector<16xi32>,
      tpu.vector_store %arg8[%swap3A_350], %iota3A {strides = array<i32>} : memref<6400xi32, #tpu.memory_space<vmem>>, vector<16xi32>,
      %add3A_352 = arith.constant 12800 : i32
      %add3A_353 = vector.broadcast %add3A_352 : i32 to vector<16xi32>
      %add3A_354 = arith.addi %add3A_353, %iota3A : vector<16xi32>
      %add3A_355 = arith.constant 48 : i32
      %add3A_356 = arith.addi %scan3A_317, %add3A_355 : i32
      %swap3A_357 = arith.index_cast %add3A_356 : i32 to index
      %swap3A_358 = tpu.vector_load %arg7[%swap3A_357] {strides = array<i32>} : memref<6400xi32, #tpu.memory_space<vmem>>, vector<16xi32>,
      tpu.vector_store %arg7[%swap3A_357], %add3A_354 {strides = array<i32>} : memref<6400xi32, #tpu.memory_space<vmem>>, vector<16xi32>,
      %add3A_359 = arith.constant 48 : i32
      %add3A_360 = arith.addi %scan3A_317, %add3A_359 : i32
      %swap3A_361 = arith.index_cast %add3A_360 : i32 to index
      %swap3A_362 = tpu.vector_load %arg8[%swap3A_361] {strides = array<i32>} : memref<6400xi32, #tpu.memory_space<vmem>>, vector<16xi32>,
      tpu.vector_store %arg8[%swap3A_361], %iota3A {strides = array<i32>} : memref<6400xi32, #tpu.memory_space<vmem>>, vector<16xi32>,
      %add3A_363 = arith.constant 12800 : i32
      %add3A_364 = vector.broadcast %add3A_363 : i32 to vector<16xi32>
      %add3A_365 = arith.addi %add3A_364, %iota3A : vector<16xi32>
      %add3A_366 = arith.constant 64 : i32
      %add3A_367 = arith.addi %scan3A_317, %add3A_366 : i32
      %swap3A_368 = arith.index_cast %add3A_367 : i32 to index
      %swap3A_369 = tpu.vector_load %arg7[%swap3A_368] {strides = array<i32>} : memref<6400xi32, #tpu.memory_space<vmem>>, vector<16xi32>,
      tpu.vector_store %arg7[%swap3A_368], %add3A_365 {strides = array<i32>} : memref<6400xi32, #tpu.memory_space<vmem>>, vector<16xi32>,
      %add3A_370 = arith.constant 64 : i32
      %add3A_371 = arith.addi %scan3A_317, %add3A_370 : i32
      %swap3A_372 = arith.index_cast %add3A_371 : i32 to index
      %swap3A_373 = tpu.vector_load %arg8[%swap3A_372] {strides = array<i32>} : memref<6400xi32, #tpu.memory_space<vmem>>, vector<16xi32>,
      tpu.vector_store %arg8[%swap3A_372], %iota3A {strides = array<i32>} : memref<6400xi32, #tpu.memory_space<vmem>>, vector<16xi32>,
      %dma_wait3A_374 = arith.constant 0 : i32
      %dma_wait3A_375 = tpu.memref_slice %arg4[%add3A_298, %dma_wait3A_374] : memref<281600x128xf32, #tpu.memory_space<hbm>> -> memref<800x128xf32, #tpu.memory_space<hbm>>
      %dma_wait3A_376 = arith.constant 0 : i32
      %dma_wait3A_377 = tpu.memref_slice %arg5[%mul3A_295, %dma_wait3A_376] : memref<12816x128xf32, #tpu.memory_space<vmem_shared>> -> memref<800x128xf32, #tpu.memory_space<vmem_shared>>
      tpu.wait_dma2 semaphore(%arg14 : memref<!tpu.dma_semaphore, #tpu.memory_space<semaphore_mem>>) src(%dma_wait3A_377 : memref<800x128xf32, #tpu.memory_space<vmem_shared>>) dst(%dma_wait3A_375 : memref<800x128xf32, #tpu.memory_space<hbm>>)
      scf.yield %scan3A_317 : i32
    }
    %scan3A_100 = arith.constant 11 : i32
    return
  }
}

</mosaic_0001>

<sc_bundles>
// kernel: kernel.3.cloned.1.call-start
scs
__scs_entry_jumppad:
0x0: {  	(pc) =	sbr.rel $0x88, $3  }
0x1: {  	(tag) =	ssettag $0x0;
	lr =	simm.s32 $0x1  }
0x2: {  	[smem:$0x3F9F] =	sst lr;
	_ =	strace $0xD0000000  }
0x3: {  	_ = 	snop  }
0x4: {  	_ = 	snop  }
0x5: {  	_ = 	snop  }
0x6: {  	_ = 	snop  }
0x7: {  	_ = 	snop  }
__scs_overlays_trampoline_lowered:
0x8: {  	[smem:$0x3FAE] =	sst s0  }
0x9: {  	[smem:$0x3FAF] =	sst s1  }
0xa: {  	[smem:$0x3FB0] =	sst s2  }
0xb: {  	[smem:$0x3FB1] =	sst s3  }
0xc: {  	[smem:$0x3FB2] =	sst s4  }
0xd: {  	[smem:$0x3FB3] =	sst s5  }
0xe: {  	[smem:$0x3FB4] =	sst s6  }
0xf: {  	[smem:$0x3FB5] =	sst s7  }
0x10: {  	[smem:$0x3FB6] =	sst s8  }
0x11: {  	[smem:$0x3FB7] =	sst s9;
	s0 =	simm.s32 @!p0 $0x0  }
0x12: {  	s1 =	sld [smem:$0x3F9D];
	s0 =	simm.s32 @p0 $0x1  }
0x13: {  	[smem:$0x3FB8] =	sst s0;
	s0 =	simm.s32 @!p1 $0x0  }
0x14: {  	s2 =	sld [smem:$0x3F9C];
	s0 =	simm.s32 @p1 $0x1  }
0x15: {  	[smem:$0x3FB9] =	sst s0;
	s0 =	simm.s32 @!p2 $0x0  }
0x16: {  	s3 =	sld [smem:$0x3FDB];
	s0 =	simm.s32 @p2 $0x1  }
0x17: {  	s4 =	simm.s32 $0x1BF5;
	[smem:$0x3FBB] =	sst s0  }
0x18: {  	s0 =	sld [smem:$0x3F9E];
	_ =	swait.ge [sflag:s4], $0x0  }
0x19: {  	s7 =	sld [smem:$0x3F9F]  }
0x1a: {  	s8 =	sadd.s32 $0xFFFFE003, lr  }
0x1b: {  	s9 =	sadd.s32 $0xFFFFFEF7, lr;
	s5 =	simm.s32 $0xFFFFFFFF;
	p2 =	slt.u32 s8, $0xFFFFF086  }
0x1c: {  	p1 =	slt.u32 s9, $0xF7A;
	s5 =	simm.s32 @!p2 $0x0  }
0x1d: {  	s5 =	simm.s32 @p1 $0x1;
	p0 =	seq.s32 s7, s2  }
0x1e: {  	s7 =	smul.u32 @!p0 $0xF7A, s2;
	p2 =	seq.s32 @!p0 s5, $0x0  }
0x1f: {  	s9 =	smul.u32 $0xF7A, s1;
	s8 =	simm.s32 @!p0 $0x1BF5;
	p2 =	por !p2, p0  }
0x20: {  	[sflag:s8] =	ssyncset.s32 @!p0 $0xFFFFF086;
	s6 =	sadd.s32 @!p0 s3, s7;
	s7 =	simm.s32 @!p0 $0x108  }
0x21: {  	s3 =	sadd.s32 s3, s9;
	s6 =	sadd.s32 @!p0 $0x88, s6;
	s7 =	simm.s32 @p2 $0x1082  }
0x22: {  	[simem:s7], [sflag:s8] =	dma.local @!p0 [hbm:s6], $0xF7A  }
0x23: {  	s9 =	sor.u32 $0xD0000000, s2;
	s6 =	simm.s32 $0x108;
	_ =	swait.ge @!p0 [sflag:s8], $0x0  }
0x24: {  	s3 =	sadd.s32 $0x88, s3;
	s6 =	simm.s32 @!p1 $0x1082;
	[sflag:s4] =	ssyncset.s32 $0xFFFFF086  }
0x25: {  	[simem:s6], [sflag:s4] =	dma.local [hbm:s3], $0xF7A  }
0x26: {  	[smem:$0x3F9F] =	sst s1;
	(tag) =	ssettag s2;
	_ =	strace s9  }
0x27: {  	s1 =	sld [smem:$0x3FAF]  }
0x28: {  	s2 =	sld [smem:$0x3FB0]  }
0x29: {  	s4 =	sld [smem:$0x3FB2]  }
0x2a: {  	p0 =	seq.s32 s5, $0x0;
	s5 =	sld [smem:$0x3FB3]  }
0x2b: {  	s6 =	sld [smem:$0x3FB4]  }
0x2c: {  	s7 =	sld [smem:$0x3FB5]  }
0x2d: {  	s3 =	simm.s32 $0x108;
	s8 =	sld [smem:$0x3FB6]  }
0x2e: {  	s3 =	simm.s32 @!p0 $0x1082;
	s9 =	sld [smem:$0x3FB7]  }
0x2f: {  	lr =	sadd.s32 s0, s3;
	s0 =	sld [smem:$0x3FAE]  }
0x30: {  	s3 =	sld [smem:$0x3FB1]  }
0x31: {  	[smem:$0x3FBA] =	sst s10  }
0x32: {  	s10 =	sld [smem:$0x3FB8];
	_ =	sdelay $0x3  }
0x33: {  	p0 =	seq.s32 s10, $0x1;
	s10 =	sld [smem:$0x3FBA];
	_ =	sdelay $0x3  }
0x34: {  	[smem:$0x3FBA] =	sst s10  }
0x35: {  	s10 =	sld [smem:$0x3FB9];
	_ =	sdelay $0x3  }
0x36: {  	p1 =	seq.s32 s10, $0x1;
	s10 =	sld [smem:$0x3FBA];
	_ =	sdelay $0x3  }
0x37: {  	[smem:$0x3FBA] =	sst s10  }
0x38: {  	s10 =	sld [smem:$0x3FBB]  }
0x39: {  	_ = 	snop;
	(pc) =	sbr.ind lr, $3  }
0x3a: {  	_ = 	snop  }
0x3b: {  	_ = 	snop  }
0x3c: {  	p2 =	seq.s32 s10, $0x1;
	s10 =	sld [smem:$0x3FBA]  }
0x3d: {  	_ =	shalt  }
0x3e: {  	_ =	shalt  }
0x3f: {  	_ =	shalt  }
0x40: {  	_ =	shalt  }
0x41: {  	_ =	shalt  }
0x42: {  	_ =	shalt  }
0x43: {  	_ =	shalt  }
0x44: {  	_ =	shalt  }
0x45: {  	_ =	shalt  }
0x46: {  	_ =	shalt  }
0x47: {  	_ =	shalt  }
0x48: {  	_ =	shalt  }
0x49: {  	_ =	shalt  }
0x4a: {  	_ =	shalt  }
0x4b: {  	_ =	shalt  }
0x4c: {  	_ =	shalt  }
0x4d: {  	_ =	shalt  }
0x4e: {  	_ =	shalt  }
0x4f: {  	_ =	shalt  }
0x50: {  	_ =	shalt  }
0x51: {  	_ =	shalt  }
0x52: {  	_ =	shalt  }
0x53: {  	_ =	shalt  }
0x54: {  	_ =	shalt  }
0x55: {  	_ =	shalt  }
0x56: {  	_ =	shalt  }
0x57: {  	_ =	shalt  }
0x58: {  	_ =	shalt  }
0x59: {  	_ =	shalt  }
0x5a: {  	_ =	shalt  }
0x5b: {  	_ =	shalt  }
0x5c: {  	_ =	shalt  }
0x5d: {  	_ =	shalt  }
0x5e: {  	_ =	shalt  }
0x5f: {  	_ =	shalt  }
0x60: {  	_ =	shalt  }
0x61: {  	_ =	shalt  }
0x62: {  	_ =	shalt  }
0x63: {  	_ =	shalt  }
0x64: {  	_ =	shalt  }
0x65: {  	_ =	shalt  }
0x66: {  	_ =	shalt  }
0x67: {  	_ =	shalt  }
0x68: {  	_ =	shalt  }
0x69: {  	_ =	shalt  }
0x6a: {  	_ =	shalt  }
0x6b: {  	_ =	shalt  }
0x6c: {  	_ =	shalt  }
0x6d: {  	_ =	shalt  }
0x6e: {  	_ =	shalt  }
0x6f: {  	_ =	shalt  }
0x70: {  	_ =	shalt  }
0x71: {  	_ =	shalt  }
0x72: {  	_ =	shalt  }
0x73: {  	_ =	shalt  }
0x74: {  	_ =	shalt  }
0x75: {  	_ =	shalt  }
0x76: {  	_ =	shalt  }
0x77: {  	_ =	shalt  }
0x78: {  	_ =	shalt  }
0x79: {  	_ =	shalt  }
0x7a: {  	_ =	shalt  }
0x7b: {  	_ =	shalt  }
0x7c: {  	_ =	shalt  }
0x7d: {  	_ =	shalt  }
0x7e: {  	_ =	shalt  }
0x7f: {  	_ =	shalt  }
0x80: {  	_ =	shalt  }
0x81: {  	_ =	shalt  }
0x82: {  	_ =	shalt  }
0x83: {  	_ =	shalt  }
0x84: {  	_ =	shalt  }
0x85: {  	_ =	shalt  }
0x86: {  	_ =	shalt  }
0x87: {  	_ =	shalt  }
.Lfunc_end0:
.L_simem_size_0:
called_computation_lowered:
.L_overlay_start_0:
0x88: {  	s2 =	sld [smem:$0x3FD9]  }
0x89: {  	s3 =	sld [smem:$0x3FFE];
	_ =	sdelay $0x1  }
0x8a: {  	s1 =	srdreg.scid  }
0x8b: {  	s0 =	sand.u32 $0x1, s1  }
0x8c: {  	s17 =	sshll.u32 s0, $0xA;
	s2 =	sadd.s32 s3, s2  }
0x8d: {  	s2 =	sadd.s32 s2, s17  }
0x8e: {  	[smem:$0x3FC6] =	sst s2  }
0x8f: {  	_ = 	snop  }
0x90: {  	s2 =	sld [smem:$0x3FC8]  }
0x91: {  	s18 =	sld [smem:$0x3FD0];
	(tm) =	ssettm $0x1  }
0x92: {  	s4 =	sld [smem:$0x3FFB];
	_ =	sdelay $0x3  }
0x93: {  	_ =	strace s4  }
0x94: {  	s4 =	sld [smem:$0x3FFC];
	_ =	sdelay $0x3  }
0x95: {  	_ =	strace s4  }
0x96: {  	s4 =	sld [smem:$0x3FFD];
	_ =	sdelay $0x3  }
0x97: {  	_ =	strace s4  }
0x98: {  	_ =	strace $0x8FFFFFFF  }
0x99: {  	s19 =	sld [smem:$0x3FDB];
	_ =	sdelay $0x1  }
0x9a: {  	s5 =	simm.s32 $_scs_section_size  }
0x9b: {  	s6 =	simm.s32 $_size__tile_overlayer_lowered;
	s7 =	simm.s32 $_tile_overlayer_lowered  }
0x9c: {  	s22 =	simm.s32 $0x1BFF;
	s21 =	sshll.u32 s7, $0x1;
	s4 =	sadd.s32 s5, s19  }
0x9d: {  	s8 =	simm.s32 $0x0;
	s20 =	sshll.u32 s6, $0x1;
	s6 =	sadd.s32 s21, s4  }
0x9e: {  	[timem:s8], [sflag:s22] =	dma.local [hbm:s6], s20  }
0x9f: {  	_ =	swait.ge [sflag:s22], s20  }
0xa0: {  	s5 =	ssub.s32 $0x0, s20;
	[sflag:s22] =	ssyncset.done $0x0  }
0xa1: {  	[sflag:s22] =	ssyncadd.s32 s5;
	_ =	sdelay $0x1  }
0xa2: {  	s23 =	simm.s32 $0x1B8B  }
0xa3: {  	_ =	swait.ge [sflag:s23], $0x1  }
0xa4: {  	[sflag:s23] =	ssyncset.done $0x0  }
0xa5: {  	s25 =	simm.s32 $0x1B8E;
	s24 =	sld [smem:$0x3FFE];
	[sflag:s23] =	ssyncadd.s32 $0xFFFFFFFF  }
0xa6: {  	s26 =	simm.s32 $execute0_lowered;
	[smem:$0x3FD2] =	sst s25  }
0xa7: {  	s6 =	sshll.u32 s26, $0x1;
	_ =	strace $0x80000046;
	[dreg:$0x1] =	wrdreg $0xFFFFFFFF  }
0xa8: {  	s28 =	simm.s32 $_size_execute0_lowered;
	s4 =	sadd.s32 s4, s6;
	[dreg:$0x0] =	wrdreg $0x0  }
0xa9: {  	s6 =	sshll.u32 s28, $0x1;
	[dreg:$0x2] =	wrdreg s4  }
0xaa: {  	[dreg:$0x3] =	wrdreg s6  }
0xab: {  	[dreg:$0x4] =	wrdreg $0xC0  }
0xac: {  	_ =	task [dreg:s8], $0x5FFFF  }
0xad: {  	[dreg:$0x1] =	wrdreg $0xFFFFFFFF  }
0xae: {  	[dreg:$0x0] =	wrdreg $0x60  }
0xaf: {  	[dreg:$0x2] =	wrdreg s18  }
0xb0: {  	[dreg:$0x3] =	wrdreg s2  }
0xb1: {  	[dreg:$0x4] =	wrdreg s24  }
0xb2: {  	[dreg:$0x5] =	wrdreg $0x0  }
0xb3: {  	[dreg:$0x6] =	wrdreg $0x9  }
0xb4: {  	_ =	task.clear_ibuf [dreg:s8], $0x7FFFF;
	_ =	strace $0x90000046  }
0xb5: {  	s29 =	simm.s32 $0x9;
	_ =	strace $0x80000048  }
0xb6: {  	_ =	swait.ge [sflag:s29], $0x1  }
0xb7: {  	[sflag:s29] =	ssyncadd.s32 $0xFFFFFFFF  }
0xb8: {  	_ =	strace $0x90000048  }
0xb9: {  	_ =	sfence  }
0xba: {  	s30 =	sld [smem:$0x0];
	_ =	sdelay $0x2  }
0xbb: {  	s31 =	sshll.u32 s1, $0xD;
	s1 =	sshrl.u32 s1, $0x2  }
0xbc: {  	s3 =	sand.u32 $0x4000, s31;
	s1 =	sadd.s32 s1, s30  }
0xbd: {  	s0 =	sor.u32 s3, s0;
	s1 =	sshll.u32 s1, $0x11  }
0xbe: {  	s0 =	sor.u32 s1, s0  }
0xbf: {  	s0 =	sadd.s32 $0x8F2B, s0  }
0xc0: {  	[sflag:s0] =	ssyncadd.remote.s32 $0x1  }
0xc1: {  	_ =	sfence.sel $0xFFFF  }
0xc2: {  	[dreg:$0x0] =	wrdreg $0xFFFFFFFF;
	(pc) =	sbr.abs _section_cstart, $3  }
0xc3: {  	[dreg:$0x1] =	wrdreg $0xFFFFFFFF  }
0xc4: {  	_ =	task.clear_ibuf [dreg:s8], $0x2FFFF;
	_ =	strace $0x9FFFFFFF  }
0xc5: {  	(tm) =	ssettm $0x7FFFFFFF  }
tec
execute0_lowered:
.L_overlay_start_1:
0x0: {  	(tag) =	ssettag $0x1  }
0x1: {  	s0 =	rddreg [dreg:$0x0]  }
0x2: {  	s1 =	rddreg [dreg:$0x1]  }
0x3: {  	s2 =	rddreg [dreg:$0x2]  }
0x4: {  	s3 =	rddreg [dreg:$0x3]  }
0x5: {  	s12 =	simm.s32 $0x0;
	s4 =	srdreg.scid;
	s7 =	stileid.u32  }
0x6: {  	s30 =	simm.s32 $0x1C200;
	s31 =	simm.s32 $0x3;
	s11 =	smul.u32 $0xC40, s7  }
0x7: {  	s10 =	simm.s32 $0x1;
	s28 =	simm.s32 $0x1ED00;
	s14 =	smul.u32 $0x64000, s7  }
0x8: {  	s29 =	simm.s32 $0x1DB80;
	[smem:$0x7FF] =	sst s12;
	s8 =	smul.u32 $0x1880, s7  }
0x9: {  	s5 =	sand.u32 $0x1, s4;
	s2 =	sadd.s32 $0x400, s2;
	s23 =	smul.u32 $0x320, s7  }
0xa: {  	s7 =	simm.s32 $0x1DC00;
	_ =	strace $0x80000047;
	s13 =	ssub.s32 $0x2, s5  }
0xb: {  	[dreg:$0x6] =	wrdreg s2;
	s16 =	smul.u32 $0xFFFFCE00, s5;
	s6 =	sshrl.u32 s13, $0x1  }
0xc: {  	s9 =	sadd.s32 s0, s11;
	s0 =	sshrl.u32 s14, $0x2;
	[dreg:$0xb] =	wrdreg s23  }
0xd: {  	s11 =	simm.s32 $0x20;
	s4 =	sadd.s32 $0x30, s9;
	[dreg:$0x7] =	wrdreg s9  }
0xe: {  	s2 =	ssub.s32 s13, s6;
	s15 =	sadd.s32 $0x20, s9;
	[dreg:$0x8] =	wrdreg s4  }
0xf: {  	s22 =	sadd.s32 $0x10, s9;
	s13 =	sadd.s32 s0, s3;
	[dreg:$0x9] =	wrdreg s15  }
0x10: {  	s9 =	simm.s32 $0x1DD00;
	[dreg:$0xa] =	wrdreg s22;
	s0 =	sadd.s32 $0x2000, s13  }
0x11: {  	s24 =	sadd.s32 $0x4000, s13;
	s25 =	sadd.s32 $0x6000, s13;
	s17 =	sadd.s32 $0x8000, s13  }
0x12: {  	s18 =	sadd.s32 $0xA000, s13;
	s19 =	sadd.s32 $0xC000, s13;
	s20 =	sadd.s32 $0xE000, s13  }
0x13: {  	s21 =	sadd.s32 $0x10000, s13;
	s22 =	sadd.s32 $0x12000, s13;
	[dreg:$0xc] =	wrdreg s0  }
0x14: {  	s23 =	sadd.s32 $0x14000, s13;
	s26 =	smax.u32 s2, $0x1;
	[dreg:$0xd] =	wrdreg s24  }
0x15: {  	s15 =	simm.s32 $0x80;
	s4 =	simm.s32 $0x2;
	[dreg:$0xe] =	wrdreg s25  }
0x16: {  	v1 =	vlaneseq.u32;
	v2 =	vimm.s32 $0x0;
	s2 =	simm.s32 $0x1DC80;
	[dreg:$0xf] =	wrdreg s26;
	s25 =	sadd.s32 $0x16000, s13  }
0x17: {  	v4 =	vimm.f32 $0.0e+00;
	v3 =	vor.u32 $0x3200, v1;
	v0 =	vmov s16;
	s26 =	sadd.s32 $0x18000, s13;
	s0 =	simm.s32 $0x1A900;
	s24 =	simm.s32 $0x1DB00  }
.LBB2_1:
0x18: {  	[dreg:$0x5] =	wrdreg s12  }
0x19: {  	s6 =	rddreg [dreg:$0x8];
	s16 =	simm.s32 $0x200  }
0x1a: {  	[tilespmem:s30], [sflag:$0x3] =	stream.strided.gather [hbm4b:s6+s15], $0x1880, s16, s15, $0x38;
	[tilespmem:$0x1FD00] =	vst v63  }
0x1b: {  	_ =	swait.ge [sflag:s31], $0x1880  }
0x1c: {  	[sflag:s31] =	ssyncset.done $0x0  }
0x1d: {  	s6 =	simm.s32 $0x0;
	[sflag:s31] =	ssyncadd.s32 $0xFFFFE780  }
0x1e: {  	v5 =	vld [tilespmem:s6+$0x1C200]  }
0x1f: {  	s12 =	simm.s32 $0x40  }
.LBB2_2:
0x20: {  	p0 =	sne.s32 s12, $0x61C0  }
.Ltmp0:
0x21: {  	_ = 	snop;
	(pc) =	sbr.rel @p0 .LBB2_2-.Ltmp0, $4  }
0x22: {  	_ = 	snop  }
0x23: {  	s14 =	sshra.s32 s12, $0x2;
	s12 =	sadd.s32 $0x40, s12;
	v6 =	vmul.u32 $0x22600, v5  }
0x24: {  	v5 =	vld [tilespmem:s14+$0x1C200]  }
0x25: {  	[tilespmem:s6+$0x19080] =	vst v6;
	s6 =	smov.u32 s14  }
0x26: {  	_ =	sdelay $0x2  }
0x27: {  	v5 =	vmul.u32 $0x22600, v5;
	_ =	sdelay $0x1  }
0x28: {  	s16 =	rddreg [dreg:$0x7];
	s12 =	simm.s32 $0x200;
	[tilespmem:s6+$0x19080] =	vst v5  }
0x29: {  	[tilespmem:s30], [sflag:$0x3] =	stream.strided.gather [hbm4b:s16+s15], $0x1880, s12, s15, $0x38;
	[tilespmem:$0x1FD00] =	vst v63  }
0x2a: {  	_ =	swait.ge [sflag:s31], $0x1880  }
0x2b: {  	[sflag:s31] =	ssyncset.done $0x0  }
0x2c: {  	s6 =	simm.s32 $0x0;
	[sflag:s31] =	ssyncadd.s32 $0xFFFFE780  }
0x2d: {  	v5 =	vld [tilespmem:s6+$0x1C200];
	_ =	sdelay $0x4  }
0x2e: {  	v6 =	vshrl.u32 v5, $0x3;
	v5 =	vld [tilespmem:s6+$0x19080];
	_ =	sdelay $0x2  }
0x2f: {  	s14 =	simm.s32 $0x80;
	s12 =	simm.s32 $0x10;
	v6 =	vmul.u32 $0x2C0, v6  }
.LBB2_4:
0x30: {  	p0 =	sne.s32 s14, $0x61C0;
	v7 =	vld [tilespmem:s12+$0x1C200]  }
0x31: {  	v5 =	vadd.s32 v5, v6  }
.Ltmp1:
0x32: {  	[tilespmem:s6+$0x19080] =	vst v5;
	s6 =	smov.u32 s12;
	(pc) =	sbr.rel @p0 .LBB2_4-.Ltmp1, $3  }
0x33: {  	v5 =	vld [tilespmem:s6+$0x19080];
	_ =	sdelay $0x1  }
0x34: {  	v6 =	vshrl.u32 v7, $0x3  }
0x35: {  	s12 =	sshra.s32 s14, $0x2;
	s14 =	sadd.s32 $0x40, s14;
	v6 =	vmul.u32 $0x2C0, v6  }
0x36: {  	v7 =	vld [tilespmem:s12+$0x1C200]  }
0x37: {  	v5 =	vadd.s32 v5, v6  }
0x38: {  	[tilespmem:s6+$0x19080] =	vst v5  }
0x39: {  	v5 =	vld [tilespmem:s12+$0x19080];
	_ =	sdelay $0x1  }
0x3a: {  	v6 =	vshrl.u32 v7, $0x3  }
0x3b: {  	v6 =	vmul.u32 $0x2C0, v6;
	_ =	sdelay $0x1  }
0x3c: {  	v5 =	vadd.s32 v5, v6  }
0x3d: {  	s14 =	rddreg [dreg:$0x9];
	s16 =	simm.s32 $0x200;
	[tilespmem:s12+$0x19080] =	vst v5  }
0x3e: {  	[tilespmem:s30], [sflag:$0x3] =	stream.strided.gather [hbm4b:s14+s15], $0x1880, s16, s15, $0x38;
	[tilespmem:$0x1FD00] =	vst v63  }
0x3f: {  	_ =	swait.ge [sflag:s31], $0x1880  }
0x40: {  	[sflag:s31] =	ssyncset.done $0x0  }
0x41: {  	s6 =	simm.s32 $0x0;
	[sflag:s31] =	ssyncadd.s32 $0xFFFFE780  }
0x42: {  	v5 =	vld [tilespmem:s6+$0x1C200];
	_ =	sdelay $0x4  }
0x43: {  	v6 =	vshrl.u32 v5, $0x1;
	v5 =	vld [tilespmem:s6+$0x19080];
	_ =	sdelay $0x3  }
0x44: {  	s12 =	simm.s32 $0x10;
	s14 =	simm.s32 $0x80;
	v6 =	vand.u32 $0x7FFFFFFC, v6  }
.LBB2_6:
0x45: {  	p0 =	sne.s32 s14, $0x61C0;
	v7 =	vld [tilespmem:s12+$0x1C200];
	v5 =	vadd.s32 v5, v6  }
0x46: {  	[tilespmem:s6+$0x19080] =	vst v5;
	s6 =	smov.u32 s12  }
.Ltmp2:
0x47: {  	v5 =	vld [tilespmem:s6+$0x19080];
	(pc) =	sbr.rel @p0 .LBB2_6-.Ltmp2, $3  }
0x48: {  	_ =	sdelay $0x1  }
0x49: {  	v6 =	vshrl.u32 v7, $0x1  }
0x4a: {  	s12 =	sshra.s32 s14, $0x2;
	s14 =	sadd.s32 $0x40, s14;
	v6 =	vand.u32 $0x7FFFFFFC, v6  }
0x4b: {  	v7 =	vld [tilespmem:s12+$0x1C200];
	v5 =	vadd.s32 v5, v6  }
0x4c: {  	[tilespmem:s6+$0x19080] =	vst v5  }
0x4d: {  	v5 =	vld [tilespmem:s12+$0x19080];
	_ =	sdelay $0x2  }
0x4e: {  	v6 =	vshrl.u32 v7, $0x1  }
0x4f: {  	v6 =	vand.u32 $0x7FFFFFFC, v6  }
0x50: {  	v5 =	vadd.s32 v5, v6  }
0x51: {  	s14 =	rddreg [dreg:$0xa];
	s16 =	simm.s32 $0x200;
	[tilespmem:s12+$0x19080] =	vst v5  }
0x52: {  	[tilespmem:s30], [sflag:$0x3] =	stream.strided.gather [hbm4b:s14+s15], $0x1880, s16, s15, $0x38;
	[tilespmem:$0x1FD00] =	vst v63  }
0x53: {  	_ =	swait.ge [sflag:s31], $0x1880  }
0x54: {  	[sflag:s31] =	ssyncset.done $0x0  }
0x55: {  	s16 =	simm.s32 $0x0;
	[sflag:s31] =	ssyncadd.s32 $0xFFFFE780  }
0x56: {  	v5 =	vld [tilespmem:s16+$0x1C200];
	_ =	sdelay $0x4  }
0x57: {  	v6 =	vshrl.u32 v5, $0x3;
	v5 =	vld [tilespmem:s16+$0x19080];
	_ =	sdelay $0x2  }
0x58: {  	s6 =	simm.s32 $0x0  }
0x59: {  	s12 =	simm.s32 $0x80;
	s14 =	simm.s32 $0x10;
	s15 =	simm.s32 $0x0;
	v6 =	vmin.u32 v6, $0x3  }
.LBB2_8:
0x5a: {  	p0 =	sne.s32 s12, $0x61C0;
	v7 =	vld [tilespmem:s14+$0x1C200];
	v5 =	vadd.s32 v5, v6  }
0x5b: {  	[tilespmem:s15+$0x19080] =	vst v5;
	s15 =	smov.u32 s14  }
.Ltmp3:
0x5c: {  	v5 =	vld [tilespmem:s15+$0x19080];
	(pc) =	sbr.rel @p0 .LBB2_8-.Ltmp3, $3  }
0x5d: {  	_ =	sdelay $0x1  }
0x5e: {  	v6 =	vshrl.u32 v7, $0x3  }
0x5f: {  	s14 =	sshra.s32 s12, $0x2;
	s12 =	sadd.s32 $0x40, s12;
	v6 =	vmin.u32 v6, $0x3  }
0x60: {  	v7 =	vld [tilespmem:s14+$0x1C200];
	v5 =	vadd.s32 v5, v6  }
0x61: {  	[tilespmem:s15+$0x19080] =	vst v5  }
0x62: {  	v5 =	vld [tilespmem:s14+$0x19080];
	_ =	sdelay $0x2  }
0x63: {  	v6 =	vshrl.u32 v7, $0x3  }
0x64: {  	v6 =	vmin.u32 v6, $0x3  }
0x65: {  	v5 =	vadd.s32 v5, v6  }
0x66: {  	[tilespmem:s14+$0x19080] =	vst v5  }
0x67: {  	v5 =	vld [tilespmem:s16+$0x19080];
	_ =	sdelay $0x4  }
0x68: {  	v5 =	vadd.s32 v0, v5  }
0x69: {  	vm0 =	vlt.u32 v5, $0x3200  }
0x6a: {  	v6 =	vsel vm0, $0x1, v2  }
0x6b: {  	(xrf0) =	vadd.scan.msk.s32 $0xffff, v6;
	_ =	sdelay $0x2  }
0x6c: {  	v6 =	vmov s6  }
0x6d: {  	v6 =	vadd.s32 $0xFFFFFFFF, v6  }
0x6e: {  	v6 =	vbroadcast v6, $0x0  }
0x6f: {  	v7, _, _ =	vpop (xrf0)  }
0x70: {  	v6 =	vadd.s32 v7, v6;
	(v2sf) =	vpush v7, $0xF;
	_ =	sdelay $0x4  }
0x71: {  	[tilespmem:v6+s0+$0x0] =	vst.idx.msk vm0, v5;
	v5 =	vor.u32 s8, v1  }
0x72: {  	s12 =	smov.u32 s8;
	s15 =	simm.s32 $0x10;
	s14 =	simm.s32 $0x80;
	[tilespmem:v6+s30+$0x0] =	vst.idx.msk vm0, v5  }
.LBB2_10:
0x73: {  	p0 =	sne.s32 s14, $0x61C0;
	v6 =	vld [tilespmem:s15+$0x19080];
	_ =	sdelay $0x4  }
0x74: {  	v6 =	vadd.s32 v0, v6  }
0x75: {  	vm0 =	vlt.u32 v6, $0x3200  }
0x76: {  	v7 =	vsel vm0, $0x1, v2  }
0x77: {  	(xrf0) =	vadd.scan.msk.s32 $0xffff, v7;
	s15 =	spop (v2sf)  }
0x78: {  	s6 =	sadd.s32 s6, s15  }
0x79: {  	v7 =	vmov s6  }
0x7a: {  	v7 =	vadd.s32 $0xFFFFFFFF, v7  }
0x7b: {  	v7 =	vbroadcast v7, $0x0;
	_ =	sdelay $0x1  }
0x7c: {  	v8, _, _ =	vpop (xrf0)  }
0x7d: {  	v7 =	vadd.s32 v8, v7;
	(v2sf) =	vpush v8, $0xF;
	_ =	sdelay $0x1  }
.Ltmp4:
0x7e: {  	(pc) =	sbr.rel @p0 .LBB2_10-.Ltmp4, $4  }
0x7f: {  	_ = 	snop  }
0x80: {  	s12 =	sadd.s32 $0x10, s12  }
0x81: {  	v8 =	vor.u32 s12, v1;
	[tilespmem:v7+s0+$0x0] =	vst.idx.msk vm0, v6  }
0x82: {  	s15 =	sshra.s32 s14, $0x2;
	s14 =	sadd.s32 $0x40, s14;
	[tilespmem:v7+s30+$0x0] =	vst.idx.msk vm0, v8  }
0x83: {  	v6 =	vld [tilespmem:s15+$0x19080];
	_ =	sdelay $0x4  }
0x84: {  	v6 =	vadd.s32 v0, v6  }
0x85: {  	vm0 =	vlt.u32 v6, $0x3200  }
0x86: {  	v7 =	vsel vm0, $0x1, v2  }
0x87: {  	(xrf0) =	vadd.scan.msk.s32 $0xffff, v7;
	_ =	sdelay $0x5  }
0x88: {  	v7, _, _ =	vpop (xrf0)  }
0x89: {  	(v2sf) =	vpush v7, $0xF;
	_ =	sdelay $0x3  }
0x8a: {  	s14 =	spop (v2sf)  }
0x8b: {  	s6 =	sadd.s32 s6, s14  }
0x8c: {  	v8 =	vmov s6  }
0x8d: {  	v8 =	vadd.s32 $0xFFFFFFFF, v8  }
0x8e: {  	v8 =	vbroadcast v8, $0x0;
	_ =	sdelay $0x1  }
0x8f: {  	v7 =	vadd.s32 v7, v8;
	_ =	sdelay $0x3  }
0x90: {  	s12 =	sadd.s32 $0x10, s12  }
0x91: {  	v63 =	vor.u32 s12, v1;
	[tilespmem:v7+s0+$0x0] =	vst.idx.msk vm0, v6;
	s16 =	spop (v2sf)  }
0x92: {  	[tilespmem:v7+s30+$0x0] =	vst.idx.msk vm0, v63;
	s12 =	sadd.s32 s6, s16  }
0x93: {  	[tilespmem:s12+$0x1A900] =	vst v3  }
0x94: {  	[tilespmem:s12+$0x1C200] =	vst v1  }
0x95: {  	[tilespmem:s12+$0x1A910] =	vst v3  }
0x96: {  	[tilespmem:s12+$0x1C210] =	vst v1  }
0x97: {  	[tilespmem:s12+$0x1A920] =	vst v3  }
0x98: {  	[tilespmem:s12+$0x1C220] =	vst v1  }
0x99: {  	[tilespmem:s12+$0x1A930] =	vst v3  }
0x9a: {  	[tilespmem:s12+$0x1C230] =	vst v1  }
0x9b: {  	[tilespmem:s12+$0x1A940] =	vst v3  }
0x9c: {  	s6 =	simm.s32 $0x0;
	[tilespmem:s12+$0x1C240] =	vst v1  }
.LBB2_12:
0x9d: {  	s14 =	simm.s32 $0x0;
	s15 =	simm.s32 $0x200  }
.LBB2_13:
0x9e: {  	p0 =	sne.s32 s15, $0x7E00;
	[tilespmem:s14+$0x1DD70] =	vst v4  }
0x9f: {  	[tilespmem:s14+$0x1DD00] =	vst v4  }
0xa0: {  	[tilespmem:s14+$0x1DD10] =	vst v4  }
.Ltmp5:
0xa1: {  	[tilespmem:s14+$0x1DD20] =	vst v4;
	(pc) =	sbr.rel @p0 .LBB2_13-.Ltmp5, $4  }
0xa2: {  	[tilespmem:s14+$0x1DD30] =	vst v4  }
0xa3: {  	[tilespmem:s14+$0x1DD40] =	vst v4  }
0xa4: {  	[tilespmem:s14+$0x1DD50] =	vst v4  }
0xa5: {  	[tilespmem:s14+$0x1DD60] =	vst v4;
	s14 =	sshra.s32 s15, $0x2;
	s15 =	sadd.s32 $0x200, s15  }
0xa6: {  	[tilespmem:s14+$0x1DD70] =	vst v4  }
0xa7: {  	[tilespmem:s14+$0x1DD00] =	vst v4  }
0xa8: {  	[tilespmem:s14+$0x1DD10] =	vst v4  }
0xa9: {  	[tilespmem:s14+$0x1DD20] =	vst v4  }
0xaa: {  	[tilespmem:s14+$0x1DD30] =	vst v4  }
0xab: {  	[tilespmem:s14+$0x1DD40] =	vst v4  }
0xac: {  	[tilespmem:s14+$0x1DD50] =	vst v4  }
0xad: {  	[tilespmem:s14+$0x1DD60] =	vst v4  }
0xae: {  	[spmem:s13] =	stream.linear.scatter [tilespmem:s9], [sflag:$0x1], $0x2000, $0x38;
	[tilespmem:$0x1FD00] =	vst v63  }
0xaf: {  	s16 =	rddreg [dreg:$0xc]  }
0xb0: {  	[spmem:s16] =	stream.linear.scatter [tilespmem:s9], [sflag:$0x1], $0x2000, $0x38;
	[tilespmem:$0x1FD00] =	vst v63  }
0xb1: {  	s15 =	rddreg [dreg:$0xd]  }
0xb2: {  	[spmem:s15] =	stream.linear.scatter [tilespmem:s9], [sflag:$0x1], $0x2000, $0x38;
	[tilespmem:$0x1FD00] =	vst v63  }
0xb3: {  	s16 =	rddreg [dreg:$0xe]  }
0xb4: {  	[spmem:s16] =	stream.linear.scatter [tilespmem:s9], [sflag:$0x1], $0x2000, $0x38;
	[tilespmem:$0x1FD00] =	vst v63  }
0xb5: {  	_ = 	snop  }
0xb6: {  	[spmem:s17] =	stream.linear.scatter [tilespmem:s9], [sflag:$0x1], $0x2000, $0x38;
	[tilespmem:$0x1FD00] =	vst v63  }
0xb7: {  	_ = 	snop  }
0xb8: {  	[spmem:s18] =	stream.linear.scatter [tilespmem:s9], [sflag:$0x1], $0x2000, $0x38;
	[tilespmem:$0x1FD00] =	vst v63  }
0xb9: {  	_ = 	snop  }
0xba: {  	[spmem:s19] =	stream.linear.scatter [tilespmem:s9], [sflag:$0x1], $0x2000, $0x38;
	[tilespmem:$0x1FD00] =	vst v63  }
0xbb: {  	_ = 	snop  }
0xbc: {  	[spmem:s20] =	stream.linear.scatter [tilespmem:s9], [sflag:$0x1], $0x2000, $0x38;
	[tilespmem:$0x1FD00] =	vst v63  }
0xbd: {  	_ = 	snop  }
0xbe: {  	[spmem:s21] =	stream.linear.scatter [tilespmem:s9], [sflag:$0x1], $0x2000, $0x38;
	[tilespmem:$0x1FD00] =	vst v63  }
0xbf: {  	_ = 	snop  }
0xc0: {  	[spmem:s22] =	stream.linear.scatter [tilespmem:s9], [sflag:$0x1], $0x2000, $0x38;
	[tilespmem:$0x1FD00] =	vst v63  }
0xc1: {  	_ = 	snop  }
0xc2: {  	[spmem:s23] =	stream.linear.scatter [tilespmem:s9], [sflag:$0x1], $0x2000, $0x38;
	[tilespmem:$0x1FD00] =	vst v63  }
0xc3: {  	_ = 	snop  }
0xc4: {  	[spmem:s25] =	stream.linear.scatter [tilespmem:s9], [sflag:$0x1], $0x2000, $0x38;
	[tilespmem:$0x1FD00] =	vst v63  }
0xc5: {  	_ = 	snop  }
0xc6: {  	[spmem:s26] =	stream.linear.scatter [tilespmem:s9], [sflag:$0x1], $0x1000, $0x38;
	[tilespmem:$0x1FD00] =	vst v63  }
0xc7: {  	_ =	swait.ge [sflag:s10], $0x2000  }
0xc8: {  	[sflag:s10] =	ssyncset.done $0x0  }
0xc9: {  	[sflag:s10] =	ssyncadd.s32 $0xFFFFE000  }
0xca: {  	_ =	swait.ge [sflag:s10], $0x2000  }
0xcb: {  	[sflag:s10] =	ssyncset.done $0x0  }
0xcc: {  	[sflag:s10] =	ssyncadd.s32 $0xFFFFE000  }
0xcd: {  	_ =	swait.ge [sflag:s10], $0x2000  }
0xce: {  	[sflag:s10] =	ssyncset.done $0x0  }
0xcf: {  	[sflag:s10] =	ssyncadd.s32 $0xFFFFE000  }
0xd0: {  	_ =	swait.ge [sflag:s10], $0x2000  }
0xd1: {  	[sflag:s10] =	ssyncset.done $0x0  }
0xd2: {  	[sflag:s10] =	ssyncadd.s32 $0xFFFFE000  }
0xd3: {  	_ =	swait.ge [sflag:s10], $0x2000  }
0xd4: {  	[sflag:s10] =	ssyncset.done $0x0  }
0xd5: {  	[sflag:s10] =	ssyncadd.s32 $0xFFFFE000  }
0xd6: {  	_ =	swait.ge [sflag:s10], $0x2000  }
0xd7: {  	[sflag:s10] =	ssyncset.done $0x0  }
0xd8: {  	[sflag:s10] =	ssyncadd.s32 $0xFFFFE000  }
0xd9: {  	_ =	swait.ge [sflag:s10], $0x2000  }
0xda: {  	[sflag:s10] =	ssyncset.done $0x0  }
0xdb: {  	[sflag:s10] =	ssyncadd.s32 $0xFFFFE000  }
0xdc: {  	_ =	swait.ge [sflag:s10], $0x2000  }
0xdd: {  	[sflag:s10] =	ssyncset.done $0x0  }
0xde: {  	[sflag:s10] =	ssyncadd.s32 $0xFFFFE000  }
0xdf: {  	_ =	swait.ge [sflag:s10], $0x2000  }
0xe0: {  	[sflag:s10] =	ssyncset.done $0x0  }
0xe1: {  	[sflag:s10] =	ssyncadd.s32 $0xFFFFE000  }
0xe2: {  	s12 =	sadd.s32 $0x3F, s12;
	_ =	swait.ge [sflag:s10], $0x2000  }
0xe3: {  	s15 =	sand.u32 $0x3F, s12;
	[sflag:s10] =	ssyncset.done $0x0  }
0xe4: {  	p1 =	slt.s32 s12, $0x1;
	p0 =	sne.s32 s15, $0x0;
	[sflag:s10] =	ssyncadd.s32 $0xFFFFE000  }
0xe5: {  	s16 =	sshra.s32 s12, $0x1F;
	p0 =	por !p1, !p0;
	_ =	swait.ge [sflag:s10], $0x2000  }
0xe6: {  	s14 =	sshrl.u32 s16, $0x1A;
	p0 =	por !p0, !p0;
	[sflag:s10] =	ssyncset.done $0x0  }
0xe7: {  	s12 =	sadd.s32 s14, s12;
	s14 =	simm.s32 $0x1;
	[sflag:s10] =	ssyncadd.s32 $0xFFFFE000  }
0xe8: {  	s12 =	sshra.s32 s12, $0x6;
	s14 =	simm.s32 @!p0 $0x0;
	_ =	swait.ge [sflag:s10], $0x2000  }
0xe9: {  	s15 =	ssub.s32 s12, s14;
	[sflag:s10] =	ssyncset.done $0x0  }
0xea: {  	p0 =	slt.s32 s15, $0x1;
	[sflag:s10] =	ssyncadd.s32 $0xFFFFE000  }
.Ltmp6:
0xeb: {  	_ =	swait.ge [sflag:s10], $0x1000;
	(pc) =	sbr.rel @p0 .LBB2_18-.Ltmp6, $3  }
0xec: {  	[sflag:s10] =	ssyncset.done $0x0  }
0xed: {  	[sflag:s10] =	ssyncadd.s32 $0xFFFFF000  }
0xee: {  	[bflag:$0x0] =	sbarrier.arrive $0xFFFF;
	_ =	sdelay $0x1  }
0xef: {  	s12 =	simm.s32 $0x1C220  }
0xf0: {  	v6 =	vld [tilespmem:s12+$0xFFFFFFE0];
	_ =	sdelay $0x4  }
0xf1: {  	s14 =	simm.s32 $0x1A920;
	[tilespmem:$0x1DB00] =	vst v6  }
0xf2: {  	v6 =	vld [tilespmem:s14+$0xFFFFFFE0];
	_ =	sdelay $0x4  }
0xf3: {  	[tilespmem:$0x1DB80] =	vst v6  }
0xf4: {  	v6 =	vld [tilespmem:s12+$0xFFFFFFF0];
	_ =	sdelay $0x4  }
0xf5: {  	[tilespmem:$0x1DB10] =	vst v6  }
0xf6: {  	v6 =	vld [tilespmem:s14+$0xFFFFFFF0];
	_ =	sdelay $0x4  }
0xf7: {  	[tilespmem:$0x1DB90] =	vst v6  }
0xf8: {  	[tilespmem:s9], [sflag:$0x1] =	stream.indirect.gather [hbm4b:s1+s11], $0x80, s24, s11, $0xb8;
	[tilespmem:$0x1FD00] =	vst v63  }
0xf9: {  	v6 =	vld [tilespmem:s12+$0x0];
	_ =	sdelay $0x4  }
0xfa: {  	[tilespmem:$0x1DC00] =	vst v6  }
0xfb: {  	v6 =	vld [tilespmem:s14+$0x0];
	_ =	sdelay $0x4  }
0xfc: {  	[tilespmem:$0x1DC80] =	vst v6  }
0xfd: {  	v6 =	vld [tilespmem:s12+$0x10];
	_ =	sdelay $0x4  }
0xfe: {  	[tilespmem:$0x1DC10] =	vst v6  }
0xff: {  	v6 =	vld [tilespmem:s14+$0x10];
	_ =	sdelay $0x4  }
0x100: {  	[tilespmem:$0x1DC90] =	vst v6  }
0x101: {  	[tilespmem:s28], [sflag:$0x2] =	stream.indirect.gather [hbm4b:s1+s11], $0x80, s7, s11, $0xb8;
	[tilespmem:$0x1FD00] =	vst v63  }
0x102: {  	_ =	swait.ge [sflag:s10], $0x1000  }
0x103: {  	[sflag:s10] =	ssyncset.done $0x0  }
0x104: {  	[sflag:s10] =	ssyncadd.s32 $0xFFFFF000  }
0x105: {  	[spmem:s3] =	stream.indirect.scatter.add.f32 [tilespmem:s9], [sflag:$0x3], $0x80, s29, s11, $0xb8;
	[tilespmem:$0x1FD00] =	vst v63  }
0x106: {  	_ =	swait.ge [sflag:s31], $0x1000  }
0x107: {  	[sflag:s31] =	ssyncset.done $0x0  }
0x108: {  	[sflag:s31] =	ssyncadd.s32 $0xFFFFF000  }
0x109: {  	p0 =	sne.s32 s15, $0x1;
	_ =	swait.ge [sflag:s4], $0x1000  }
.Ltmp7:
0x10a: {  	[sflag:s4] =	ssyncset.done $0x0;
	(pc) =	sbr.rel @!p0 .LBB2_17-.Ltmp7, $4  }
0x10b: {  	[sflag:s4] =	ssyncadd.s32 $0xFFFFF000  }
0x10c: {  	[spmem:s3] =	stream.indirect.scatter.add.f32 [tilespmem:s28], [sflag:$0x3], $0x80, s2, s11, $0xb8;
	[tilespmem:$0x1FD00] =	vst v63  }
0x10d: {  	_ =	swait.ge [sflag:s31], $0x1000  }
0x10e: {  	s15 =	sadd.s32 $0xFFFFFFFF, s15;
	[sflag:s31] =	ssyncset.done $0x0  }
.LBB2_16:
0x10f: {  	[sflag:s31] =	ssyncadd.s32 $0xFFFFF000;
	s14 =	sadd.s32 $0x40, s14;
	s12 =	sadd.s32 $0x40, s12  }
0x110: {  	p0 =	sne.s32 s15, $0x1;
	s15 =	sadd.s32 $0xFFFFFFFF, s15;
	v6 =	vld [tilespmem:s12+$0xFFFFFFE0];
	_ =	sdelay $0x4  }
0x111: {  	[tilespmem:$0x1DB00] =	vst v6  }
0x112: {  	v6 =	vld [tilespmem:s14+$0xFFFFFFE0];
	_ =	sdelay $0x4  }
0x113: {  	[tilespmem:$0x1DB80] =	vst v6  }
0x114: {  	v6 =	vld [tilespmem:s12+$0xFFFFFFF0];
	_ =	sdelay $0x4  }
0x115: {  	[tilespmem:$0x1DB10] =	vst v6  }
0x116: {  	v6 =	vld [tilespmem:s14+$0xFFFFFFF0];
	_ =	sdelay $0x4  }
0x117: {  	[tilespmem:$0x1DB90] =	vst v6  }
0x118: {  	[tilespmem:s9], [sflag:$0x1] =	stream.indirect.gather [hbm4b:s1+s11], $0x80, s24, s11, $0xb8;
	[tilespmem:$0x1FD00] =	vst v63  }
0x119: {  	v6 =	vld [tilespmem:s12+$0x0];
	_ =	sdelay $0x4  }
0x11a: {  	[tilespmem:$0x1DC00] =	vst v6  }
0x11b: {  	v6 =	vld [tilespmem:s14+$0x0];
	_ =	sdelay $0x4  }
0x11c: {  	[tilespmem:$0x1DC80] =	vst v6  }
0x11d: {  	v6 =	vld [tilespmem:s12+$0x10];
	_ =	sdelay $0x4  }
0x11e: {  	[tilespmem:$0x1DC10] =	vst v6  }
0x11f: {  	v6 =	vld [tilespmem:s14+$0x10];
	_ =	sdelay $0x4  }
0x120: {  	[tilespmem:$0x1DC90] =	vst v6  }
0x121: {  	[tilespmem:s28], [sflag:$0x2] =	stream.indirect.gather [hbm4b:s1+s11], $0x80, s7, s11, $0xb8;
	[tilespmem:$0x1FD00] =	vst v63  }
0x122: {  	_ =	swait.ge [sflag:s10], $0x1000  }
0x123: {  	[sflag:s10] =	ssyncset.done $0x0  }
0x124: {  	[sflag:s10] =	ssyncadd.s32 $0xFFFFF000  }
0x125: {  	[spmem:s3] =	stream.indirect.scatter.add.f32 [tilespmem:s9], [sflag:$0x3], $0x80, s29, s11, $0xb8;
	[tilespmem:$0x1FD00] =	vst v63  }
0x126: {  	_ =	swait.ge [sflag:s31], $0x1000  }
0x127: {  	[sflag:s31] =	ssyncset.done $0x0  }
0x128: {  	[sflag:s31] =	ssyncadd.s32 $0xFFFFF000  }
0x129: {  	_ =	swait.ge [sflag:s4], $0x1000  }
.Ltmp8:
0x12a: {  	[sflag:s4] =	ssyncset.done $0x0;
	(pc) =	sbr.rel @p0 .LBB2_16-.Ltmp8, $4  }
0x12b: {  	[sflag:s4] =	ssyncadd.s32 $0xFFFFF000  }
0x12c: {  	[spmem:s3] =	stream.indirect.scatter.add.f32 [tilespmem:s28], [sflag:$0x3], $0x80, s2, s11, $0xb8;
	[tilespmem:$0x1FD00] =	vst v63  }
0x12d: {  	_ =	swait.ge [sflag:s31], $0x1000  }
0x12e: {  	[sflag:s31] =	ssyncset.done $0x0  }
.LBB2_17:
0x12f: {  	[sflag:s31] =	ssyncadd.s32 $0xFFFFF000  }
.LBB2_18:
0x130: {  	s12 =	sshll.u32 s6, $0x1  }
0x131: {  	s12 =	sor.u32 s5, s12  }
0x132: {  	s12 =	smul.u32 $0x3200, s12  }
0x133: {  	s14 =	rddreg [dreg:$0xb]  }
0x134: {  	[bflag:$0x0] =	sbarrier.arrive $0xFFFF;
	s15 =	stileid.u32;
	s12 =	sadd.s32 s14, s12  }
0x135: {  	s14 =	sshll.u32 s15, $0x6;
	s15 =	rddreg [dreg:$0x6];
	s12 =	sshll.u32 s12, $0x4  }
0x136: {  	s16 =	sshrl.u32 s13, $0x3;
	s14 =	sor.u32 $0x1C01, s14;
	s12 =	sadd.s32 s15, s12  }
0x137: {  	[hbm:s12], [sflag:s14] =	dma.local [spmem:s16], $0x3200  }
0x138: {  	s6 =	sadd.s32 $0x1, s6;
	s14 =	simm.s32 $0x0  }
0x139: {  	s15 =	sshll.u32 s6, $0x1;
	v7 =	vld [tilespmem:s14+$0x19080]  }
0x13a: {  	s16 =	sor.u32 s5, s15  }
0x13b: {  	s12 =	smul.u32 $0xFFFFCE00, s16;
	_ =	sdelay $0x1  }
0x13c: {  	v6 =	vmov s12  }
0x13d: {  	v7 =	vadd.s32 v6, v7  }
0x13e: {  	vm0 =	vlt.u32 v7, $0x3200  }
0x13f: {  	v8 =	vsel vm0, $0x1, v2  }
0x140: {  	(xrf0) =	vadd.scan.msk.s32 $0xffff, v8;
	_ =	sdelay $0x1  }
0x141: {  	s12 =	simm.s32 $0x0  }
0x142: {  	v8 =	vmov s12  }
0x143: {  	v8 =	vadd.s32 $0xFFFFFFFF, v8  }
0x144: {  	v8 =	vbroadcast v8, $0x0  }
0x145: {  	v9, _, _ =	vpop (xrf0)  }
0x146: {  	v8 =	vadd.s32 v9, v8;
	(v2sf) =	vpush v9, $0xF;
	_ =	sdelay $0x4  }
0x147: {  	[tilespmem:v8+s0+$0x0] =	vst.idx.msk vm0, v7  }
0x148: {  	s15 =	simm.s32 $0x80;
	s16 =	simm.s32 $0x10;
	s14 =	smov.u32 s8;
	[tilespmem:v8+s30+$0x0] =	vst.idx.msk vm0, v5  }
.LBB2_19:
0x149: {  	p0 =	sne.s32 s15, $0x61C0;
	v7 =	vld [tilespmem:s16+$0x19080];
	_ =	sdelay $0x4  }
0x14a: {  	v7 =	vadd.s32 v6, v7  }
0x14b: {  	vm0 =	vlt.u32 v7, $0x3200  }
0x14c: {  	v8 =	vsel vm0, $0x1, v2  }
0x14d: {  	(xrf0) =	vadd.scan.msk.s32 $0xffff, v8;
	s16 =	spop (v2sf)  }
0x14e: {  	s12 =	sadd.s32 s12, s16  }
0x14f: {  	v8 =	vmov s12  }
0x150: {  	v8 =	vadd.s32 $0xFFFFFFFF, v8  }
0x151: {  	v8 =	vbroadcast v8, $0x0;
	_ =	sdelay $0x1  }
0x152: {  	v9, _, _ =	vpop (xrf0)  }
0x153: {  	v8 =	vadd.s32 v9, v8;
	(v2sf) =	vpush v9, $0xF;
	_ =	sdelay $0x1  }
.Ltmp9:
0x154: {  	(pc) =	sbr.rel @p0 .LBB2_19-.Ltmp9, $4  }
0x155: {  	_ = 	snop  }
0x156: {  	s14 =	sadd.s32 $0x10, s14  }
0x157: {  	v9 =	vor.u32 s14, v1;
	[tilespmem:v8+s0+$0x0] =	vst.idx.msk vm0, v7  }
0x158: {  	s16 =	sshra.s32 s15, $0x2;
	s15 =	sadd.s32 $0x40, s15;
	[tilespmem:v8+s30+$0x0] =	vst.idx.msk vm0, v9  }
0x159: {  	v7 =	vld [tilespmem:s16+$0x19080];
	_ =	sdelay $0x4  }
0x15a: {  	v6 =	vadd.s32 v6, v7  }
0x15b: {  	vm0 =	vlt.u32 v6, $0x3200  }
0x15c: {  	v7 =	vsel vm0, $0x1, v2  }
0x15d: {  	(xrf0) =	vadd.scan.msk.s32 $0xffff, v7;
	_ =	sdelay $0x5  }
0x15e: {  	v7, _, _ =	vpop (xrf0)  }
0x15f: {  	(v2sf) =	vpush v7, $0xF;
	_ =	sdelay $0x3  }
0x160: {  	s15 =	spop (v2sf)  }
0x161: {  	s12 =	sadd.s32 s12, s15  }
0x162: {  	v8 =	vmov s12  }
0x163: {  	v8 =	vadd.s32 $0xFFFFFFFF, v8  }
0x164: {  	v8 =	vbroadcast v8, $0x0;
	_ =	sdelay $0x1  }
0x165: {  	v7 =	vadd.s32 v7, v8;
	_ =	sdelay $0x3  }
0x166: {  	s14 =	sadd.s32 $0x10, s14  }
0x167: {  	v63 =	vor.u32 s14, v1;
	[tilespmem:v7+s0+$0x0] =	vst.idx.msk vm0, v6;
	s16 =	spop (v2sf)  }
0x168: {  	[tilespmem:v7+s30+$0x0] =	vst.idx.msk vm0, v63;
	s12 =	sadd.s32 s12, s16  }
0x169: {  	[tilespmem:s12+$0x1A900] =	vst v3  }
0x16a: {  	[tilespmem:s12+$0x1C200] =	vst v1  }
0x16b: {  	[tilespmem:s12+$0x1A910] =	vst v3  }
0x16c: {  	[tilespmem:s12+$0x1C210] =	vst v1  }
0x16d: {  	[tilespmem:s12+$0x1A920] =	vst v3  }
0x16e: {  	[tilespmem:s12+$0x1C220] =	vst v1  }
0x16f: {  	[tilespmem:s12+$0x1A930] =	vst v3  }
0x170: {  	p0 =	sne.s32 s6, $0xB;
	[tilespmem:s12+$0x1C230] =	vst v1  }
.Ltmp10:
0x171: {  	[tilespmem:s12+$0x1A940] =	vst v3;
	(pc) =	sbr.rel @p0 .LBB2_12-.Ltmp10, $4  }
0x172: {  	[tilespmem:s12+$0x1C240] =	vst v1  }
0x173: {  	_ =	swait.ge [sflag:s10], $0x3200  }
0x174: {  	[sflag:s10] =	ssyncset.done $0x0  }
0x175: {  	[sflag:s10] =	ssyncadd.s32 $0xFFFFCE00  }
0x176: {  	s12 =	rddreg [dreg:$0x5]  }
0x177: {  	s6 =	rddreg [dreg:$0xf];
	s12 =	sadd.s32 $0x1, s12  }
0x178: {  	p0 =	sne.s32 s12, s6  }
.Ltmp11:
0x179: {  	_ = 	snop;
	(pc) =	sbr.rel @p0 .LBB2_1-.Ltmp11, $2  }
0x17a: {  	_ =	sdelay $0x2  }
0x17b: {  	s15 =	simm.s32 $0x80  }
0x17c: {  	_ =	sfence.sel $0x180000  }
0x17d: {  	[bflag:$0x0] =	sbarrier.arrive $0xFFFF  }
0x17e: {  	_ =	strace $0x90000047  }
0x17f: {  	s0 =	stileid.u32;
	[bflag:$0x2] =	sbarrier.arrive $0xFFFF  }
0x180: {  	p0 =	sne.s32 s0, $0x0;
	s0 =	rddreg [dreg:$0x4]  }
0x181: {  	s0 =	sadd.s32 @!p0 $0x100000, s0  }
0x182: {  	[sflag:s0] =	ssyncadd.tile.s32 @!p0 $0x1;
	_ =	shalt  }
.Lfunc_end2:
_tile_overlayer_lowered:
.L_overlay_start_2:
0x183: {  	(tag) =	ssettag $0x2  }
0x184: {  	s0 =	rddreg [dreg:$0x0];
	s2 =	stileid.u32  }
0x185: {  	s1 =	rddreg [dreg:$0x1];
	p0 =	sne.s32 s2, $0x0  }
0x186: {  	s3 =	rddreg [dreg:$0x2];
	[bflag:$0x3] =	sbarrier.arrive $0xFFFF;
	s2 =	simm.s32 @!p0 $0x1C03  }
0x187: {  	[timem:s3], [sflag:s2] =	dma.local @!p0 [hbm:s0], s1  }
0x188: {  	s0 =	simm.s32 @!p0 $0x3  }
0x189: {  	_ =	swait.ge @!p0 [sflag:s0], s1  }
0x18a: {  	s1 =	ssub.s32 @!p0 $0x0, s1;
	[sflag:s0] =	ssyncset.done @!p0 $0x0  }
0x18b: {  	[sflag:s0] =	ssyncadd.s32 @!p0 s1  }
0x18c: {  	[bflag:$0x3] =	sbarrier.arrive $0xFFFF  }
0x18d: {  	_ =	shalt  }

</sc_bundles>
